<compile_context>
chip_gen: v7x
topology: tpu7x:2x2x1
jax: 0.10.2.dev20260603
libtpu: 0.0.44.dev20260713+nightly
codegen_flags: <defaults>
</compile_context>

<pallas_src>
import functools

import numpy as np
import jax
import jax.numpy as jnp
from jax import lax
from jax.experimental import pallas as pl
from jax.experimental.pallas import tpu as pltpu
from jax.experimental.pallas import tpu_sc as plsc

_B, _S, _D, _H, _DH = 2, 8192, 768, 12, 64
_E = 500
_EP = 512
_NW = 32
_GPW = (_B * 2 * _EP) // _NW
_RPW = (_B * _S) // _NW
_K = 32
_F_TC = 512
_SCALE = _DH ** -0.5


def _halton(b, n):
    h, d = 0, 1
    seq = []
    for _ in range(n):
        x = d - h
        if x == 1:
            h = 1
            d *= b
        else:
            y = d // b
            while x <= y:
                y //= b
            h = (b + 1) * y - x
        seq.append(h / d)
    return np.array(seq, dtype=np.float64)


def _build_constants():
    n = min(500, int(0.01 * _S * _S))
    h2 = _halton(2, n)
    h3 = _halton(3, n)
    src = (h2 * _S).astype(np.int64)
    dst = (h3 * _S).astype(np.int64)
    keep = src != dst
    src = src[keep][:n]
    dst = dst[keep][:n]
    assert src.shape[0] == _E
    assert np.unique(src).size == _E

    gidx = np.zeros((2, _B, _EP), dtype=np.int32)
    for b in range(_B):
        gidx[0, b, :_E] = b * _S + src
        gidx[0, b, _E:] = b * _S
        gidx[1, b, :_E] = b * _S + dst
        gidx[1, b, _E:] = b * _S
    gidx = gidx.reshape(-1)

    didx_all = np.concatenate(
        [b * _EP + np.arange(_E, dtype=np.int32) for b in range(_B)])
    sidx_all = np.concatenate(
        [(b * _S + src).astype(np.int32) for b in range(_B)])
    didx_w = np.zeros((_NW, _K), dtype=np.int32)
    sidx_w = np.zeros((_NW, _K), dtype=np.int32)
    for w in range(_NW):
        lo, hi = w * _RPW, (w + 1) * _RPW
        m = (sidx_all >= lo) & (sidx_all < hi)
        d, s = didx_all[m], sidx_all[m]
        assert d.size <= _K
        free = np.setdiff1d(np.arange(lo, hi, dtype=np.int32), s)[0]
        didx_w[w, :d.size] = d
        sidx_w[w, :s.size] = s
        didx_w[w, d.size:] = _E
        sidx_w[w, s.size:] = free
    return gidx, didx_w.reshape(-1), sidx_w.reshape(-1)


_GIDX_NP, _DIDX_NP, _SIDX_NP = _build_constants()
_EXP_NP = np.kron(np.eye(_H, dtype=np.float32), np.ones((_DH, 1), np.float32))

def _sc_gather_body(x_hbm, idx_hbm, out_hbm, idx_v, rows_v, sem):
    wid = lax.axis_index("s") * 2 + lax.axis_index("c")
    base = wid * _GPW
    pltpu.sync_copy(idx_hbm.at[pl.ds(base, _GPW)], idx_v)
    pltpu.async_copy(x_hbm.at[idx_v], rows_v, sem).wait()
    pltpu.sync_copy(rows_v, out_hbm.at[pl.ds(base, _GPW)])


def _sc_fill_body(tile_hbm, out_ref, fill_v, fsem):
    wid = lax.axis_index("s") * 2 + lax.axis_index("c")
    rows = (_B * _S - _F_TC) // _NW
    base = _F_TC + wid * rows
    pltpu.sync_copy(tile_hbm, fill_v)
    nfull, tail = divmod(rows, 64)
    fills = [
        pltpu.async_copy(fill_v, out_ref.at[pl.ds(base + j * 64, 64)], fsem)
        for j in range(nfull)
    ]
    if tail:
        fills.append(pltpu.async_copy(
            fill_v.at[pl.ds(0, tail)],
            out_ref.at[pl.ds(base + nfull * 64, tail)], fsem))
    for c in fills:
        c.wait()


def _sc_scatter_body(didx_hbm, sidx_hbm, delta_hbm, out_ref,
                     didx_v, sidx_v, rows_v, sem):
    wid = lax.axis_index("s") * 2 + lax.axis_index("c")
    pltpu.sync_copy(didx_hbm.at[pl.ds(wid * _K, _K)], didx_v)
    pltpu.sync_copy(sidx_hbm.at[pl.ds(wid * _K, _K)], sidx_v)
    pltpu.async_copy(delta_hbm.at[didx_v], rows_v, sem).wait()
    pltpu.async_copy(rows_v, out_ref.at[sidx_v], sem).wait()


@functools.lru_cache(maxsize=None)
def _sc_kernels():
    mesh = plsc.VectorSubcoreMesh(core_axis_name="c", subcore_axis_name="s")
    gather = pl.kernel(
        _sc_gather_body,
        out_type=jax.ShapeDtypeStruct((_B * 2 * _EP, _D), jnp.float32),
        mesh=mesh,
        scratch_types=[
            pltpu.VMEM((_GPW,), jnp.int32),
            pltpu.VMEM((_GPW, _D), jnp.float32),
            pltpu.SemaphoreType.DMA,
        ],
    )
    fill = pl.kernel(
        _sc_fill_body,
        out_type=(),
        mesh=mesh,
        scratch_types=[
            pltpu.VMEM((64, _D), jnp.float32),
            pltpu.SemaphoreType.DMA,
        ],
    )
    scatter = pl.kernel(
        _sc_scatter_body,
        out_type=(),
        mesh=mesh,
        scratch_types=[
            pltpu.VMEM((_K,), jnp.int32),
            pltpu.VMEM((_K,), jnp.int32),
            pltpu.VMEM((_K, _D), jnp.float32),
            pltpu.SemaphoreType.DMA,
        ],
    )
    return gather, fill, scatter


def _tc_fill_body(bo_ref, out_ref, tile_ref):
    out_ref[...] = jnp.broadcast_to(bo_ref[...], (_RPW, _D))
    tile_ref[...] = jnp.broadcast_to(bo_ref[...], (64, _D))


_tc_fill = pl.pallas_call(
    _tc_fill_body,
    grid=(_F_TC // _RPW,),
    in_specs=[pl.BlockSpec((1, _D), lambda i: (0, 0))],
    out_specs=[
        pl.BlockSpec((_RPW, _D), lambda i: (i, 0)),
        pl.BlockSpec((64, _D), lambda i: (0, 0)),
    ],
    out_shape=[
        jax.ShapeDtypeStruct((_B * _S, _D), jnp.float32),
        jax.ShapeDtypeStruct((64, _D), jnp.float32),
    ],
)


def _tc_body(xg_ref, wq_ref, wk_ref, wv_ref, wo_ref, bq_ref, bk_ref, bv_ref,
             bo_ref, w1a_ref, w1b_ref, b1_ref, w2_ref, b2_ref, ew_ref,
             exp_ref, delta_ref):
    dn = (((1,), (1,)), ((), ()))
    hi = lax.Precision.DEFAULT
    M = _B * _EP
    xs = xg_ref[:M, :]
    xd = xg_ref[M:, :]
    qs = lax.dot_general(xs, wq_ref[...], dn, precision=hi,
                         preferred_element_type=jnp.float32) + bq_ref[...]
    kd = lax.dot_general(xd, wk_ref[...], dn, precision=hi,
                         preferred_element_type=jnp.float32) + bk_ref[...]
    vd = lax.dot_general(xd, wv_ref[...], dn, precision=hi,
                         preferred_element_type=jnp.float32) + bv_ref[...]
    pre = (lax.dot_general(qs, w1a_ref[...], dn, precision=hi,
                           preferred_element_type=jnp.float32)
           + lax.dot_general(kd, w1b_ref[...], dn, precision=hi,
                             preferred_element_type=jnp.float32)
           + b1_ref[...])
    hm = 0.5 * pre * (1.0 + lax.erf(pre * (2.0 ** -0.5)))
    es = (lax.dot_general(hm, w2_ref[...], dn, precision=hi,
                          preferred_element_type=jnp.float32)
          + b2_ref[...]) * _SCALE
    valid = lax.rem(lax.broadcasted_iota(jnp.int32, (M, 1), 0), _EP) < _E
    es = jnp.where(valid, es, -1e30)
    ps = []
    for b in range(_B):
        esb = es[b * _EP:(b + 1) * _EP, :]
        mb = jnp.max(esb, axis=0, keepdims=True)
        ps.append(jnp.exp(esb - mb))
    p = jnp.where(valid, jnp.concatenate(ps, axis=0), 0.0)
    den_cols = []
    for b in range(_B):
        pb = p[b * _EP:(b + 1) * _EP, :]
        den_cols.append(jnp.broadcast_to(
            jnp.sum(pb, axis=0, keepdims=True), (_EP, _H)))
    ea = (p / jnp.concatenate(den_cols, axis=0)) * ew_ref[...]
    row = lax.dot_general(ea, exp_ref[...], dn, precision=hi,
                          preferred_element_type=jnp.float32) * vd
    delta_ref[...] = lax.dot_general(row, wo_ref[...], dn, precision=hi,
                                     preferred_element_type=jnp.float32) \
        + bo_ref[...]


_full = lambda shape: pl.BlockSpec(shape, lambda: (0,) * len(shape))

_tc_compute = pl.pallas_call(
    _tc_body,
    in_specs=[
        _full((2 * _B * _EP, _D)),
        _full((_D, _D)), _full((_D, _D)), _full((_D, _D)), _full((_D, _D)),
        _full((1, _D)), _full((1, _D)), _full((1, _D)), _full((1, _D)),
        _full((_D, _D)), _full((_D, _D)), _full((1, _D)),
        _full((_H, _D)), _full((1, _H)), _full((1, _H)), _full((_D, _H)),
    ],
    out_specs=_full((_B * _EP, _D)),
    out_shape=jax.ShapeDtypeStruct((_B * _EP, _D), jnp.float32),
)


def kernel(x, Wq, bq, Wk, bk, Wv, bv, Wo, bo, edge_weight, W1, b1, W2, b2):
    B, S, D = x.shape
    assert (B, S, D) == (_B, _S, _D)
    _sc_gather, _sc_fill, _sc_scatter = _sc_kernels()
    xg = _sc_gather(x.reshape(B * S, D), jnp.asarray(_GIDX_NP))
    filled, tile = _tc_fill(bo.reshape(1, D))
    out_ref = jax.new_ref(filled)
    _sc_fill(tile, out_ref)
    eye = jnp.asarray(np.eye(_H, dtype=np.float32))
    w1a_bd = jnp.kron(eye, W1[:, :_DH])
    w1b_bd = jnp.kron(eye, W1[:, _DH:])
    w2_bd = jnp.kron(eye, W2.reshape(1, _DH))
    delta = _tc_compute(
        xg, Wq, Wk, Wv, Wo,
        bq.reshape(1, D), bk.reshape(1, D), bv.reshape(1, D),
        bo.reshape(1, D), w1a_bd, w1b_bd,
        jnp.tile(b1.reshape(1, _DH), (1, _H)),
        w2_bd, jnp.broadcast_to(b2.reshape(1, 1), (1, _H)),
        edge_weight.reshape(1, _H), jnp.asarray(_EXP_NP))
    _sc_scatter(jnp.asarray(_DIDX_NP), jnp.asarray(_SIDX_NP), delta, out_ref)
    return jax.freeze(out_ref).reshape(B, S, D)

# --- scband reference (transcript-rebuilt; emitter-appended) ---
"""Pipeline reference for scband-token-centric-graph-attention-85358180041394 (READ-ONLY COPY).

The authoritative reference and input builder live on the scoring server;
editing this copy changes nothing except your own understanding.
"""

import jax, jax.numpy as jnp
import numpy as np

DIM = 768
HEADS = 12
HEAD_DIM = DIM // HEADS


def _halton(b, n):
    h, d = 0, 1
    seq = []
    for _ in range(n):
        x = d - h
        if x == 1:
            h = 1
            d *= b
        else:
            y = d // b
            while x <= y:
                y //= b
            h = (b + 1) * y - x
        seq.append(h / d)
    return np.array(seq, dtype=np.float64)


def _sample_edges(num_tokens, num_edges):
    # deterministic Halton edge sampling (CPU branch of the torch module)
    h2 = _halton(2, num_edges)
    h3 = _halton(3, num_edges)
    src = (h2 * num_tokens).astype(np.int64)
    dst = (h3 * num_tokens).astype(np.int64)
    mask = src != dst
    src = src[mask][:num_edges]
    dst = dst[mask][:num_edges]
    return src, dst


def setup_inputs(seed: int = 0) -> dict:
    key = jax.random.key(seed)
    ks = jax.random.split(key, 16)
    B, S, D = 2, 8192, DIM
    dh = HEAD_DIM
    x = jax.random.normal(ks[0], (B, S, D), dtype=jnp.float32)
    Wq = jax.random.normal(ks[1], (D, D), dtype=jnp.float32) * 0.02
    bq = jnp.zeros((D,), dtype=jnp.float32)
    Wk = jax.random.normal(ks[2], (D, D), dtype=jnp.float32) * 0.02
    bk = jnp.zeros((D,), dtype=jnp.float32)
    Wv = jax.random.normal(ks[3], (D, D), dtype=jnp.float32) * 0.02
    bv = jnp.zeros((D,), dtype=jnp.float32)
    Wo = jax.random.normal(ks[4], (D, D), dtype=jnp.float32) * 0.02
    bo = jnp.zeros((D,), dtype=jnp.float32)
    edge_weight = jax.random.normal(ks[5], (1, HEADS, 1), dtype=jnp.float32)
    W1 = jax.random.normal(ks[6], (dh, 2 * dh), dtype=jnp.float32) * 0.02
    b1 = jnp.zeros((dh,), dtype=jnp.float32)
    W2 = jax.random.normal(ks[7], (1, dh), dtype=jnp.float32) * 0.02
    b2 = jnp.zeros((1,), dtype=jnp.float32)
    return {
        'x': x, 'Wq': Wq, 'bq': bq, 'Wk': Wk, 'bk': bk, 'Wv': Wv, 'bv': bv,
        'Wo': Wo, 'bo': bo, 'edge_weight': edge_weight,
        'W1': W1, 'b1': b1, 'W2': W2, 'b2': b2,
    }


def reference(x, Wq, bq, Wk, bk, Wv, bv, Wo, bo, edge_weight, W1, b1, W2, b2):
    B, S, D = x.shape
    H = HEADS
    dh = D // H
    scale = dh ** (-0.5)
    # edge budget (CPU branch of the torch code): min(500, 0.01*S*S)
    max_edges = min(500, int(0.01 * S * S))
    src_np, dst_np = _sample_edges(S, max_edges)
    src = jnp.asarray(src_np)
    dst = jnp.asarray(dst_np)

    q = x @ Wq.T + bq
    k = x @ Wk.T + bk
    v = x @ Wv.T + bv
    q = q.reshape(B, S, H, dh).transpose(0, 2, 1, 3)
    k = k.reshape(B, S, H, dh).transpose(0, 2, 1, 3)
    v = v.reshape(B, S, H, dh).transpose(0, 2, 1, 3)

    q_src = jnp.take(q, src, axis=2)  # [B,H,E,dh]
    k_dst = jnp.take(k, dst, axis=2)  # [B,H,E,dh]
    ef = jnp.concatenate([q_src, k_dst], axis=-1)  # [B,H,E,2dh]
    ef = ef.transpose(0, 2, 1, 3)  # [B,E,H,2dh]
    hmid = jax.nn.gelu(ef @ W1.T + b1, approximate=False)
    es = hmid @ W2.T + b2  # [B,E,H,1]
    es = es.transpose(0, 2, 1, 3)  # [B,H,E,1]
    ea = jax.nn.softmax(es * scale, axis=2)
    ea = ea * edge_weight[:, :, :, None]  # [1,H,1,1]
    # eval mode: edge_dropout and output dropout are identity
    v_dst = jnp.take(v, dst, axis=2)  # [B,H,E,dh]
    wv = ea * v_dst  # [B,H,E,dh]
    out = jnp.zeros((B, H, S, dh), dtype=x.dtype).at[:, :, src].add(wv)
    out = out.transpose(0, 2, 1, 3).reshape(B, S, D)
    out = out @ Wo.T + bo
    return out

if __name__ == "__main__":
    import jax
    _d = setup_inputs()
    print(jax.jit(kernel)(*tuple(_d.values())))

</pallas_src>

<mosaic_0001>
#map = affine_map<(d0, d1) -> (0, 0)>
module attributes {stable_mosaic.version = 14 : i64} {
  func.func @new_body(%arg0: i32, %arg1: i32, %arg2: memref<64x768xf32, #tpu.memory_space<hbm>>, %arg3: memref<16384x768xf32, #tpu.memory_space<hbm>>, %arg4: memref<16384x768xf32, #tpu.memory_space<hbm>>, %arg5: memref<64x768xf32, #tpu.memory_space<vmem>>, %arg6: memref<!tpu.dma_semaphore, #tpu.memory_space<semaphore_mem>>) attributes {dimension_semantics = [#tpu.dimension_semantics<core_parallel>, #tpu.dimension_semantics<subcore_parallel>], iteration_bounds = array<i64: 2, 16>, scalar_prefetch = 0 : i64, scratch_operands = 2 : i64, tpu.core_type = #tpu.core_type<sc_vector_subcore>, window_params = [{transform_indices = #map}, {transform_indices = #map}, {transform_indices = #map}]} {
    %mul3A = arith.constant 2 : i32
    %mul3A_0 = arith.muli %arg1, %mul3A : i32
    %add3A = arith.addi %mul3A_0, %arg0 : i32
    %mul3A_1 = arith.constant 496 : i32
    %mul3A_2 = arith.muli %add3A, %mul3A_1 : i32
    %add3A_3 = arith.constant 512 : i32
    %add3A_4 = arith.addi %add3A_3, %mul3A_2 : i32
    "tpu.region"() ({
      %run_scoped3A = tpu.sem_alloc : memref<!tpu.dma_semaphore, #tpu.memory_space<semaphore_mem>>
      tpu.enqueue_dma source(%arg2 : memref<64x768xf32, #tpu.memory_space<hbm>>) target(%arg5 : memref<64x768xf32, #tpu.memory_space<vmem>>) target_semaphore(%run_scoped3A : memref<!tpu.dma_semaphore, #tpu.memory_space<semaphore_mem>>)
      tpu.wait_dma2 semaphore(%run_scoped3A : memref<!tpu.dma_semaphore, #tpu.memory_space<semaphore_mem>>) src(%arg2 : memref<64x768xf32, #tpu.memory_space<hbm>>) dst(%arg5 : memref<64x768xf32, #tpu.memory_space<vmem>>)
      tpu.yield
    }) : () -> ()
    %add3A_5 = arith.constant 0 : i32
    %add3A_6 = arith.addi %add3A_4, %add3A_5 : i32
    %dma_start3A = arith.constant 0 : i32
    %dma_start3A_7 = tpu.memref_slice %arg3[%add3A_6, %dma_start3A] : memref<16384x768xf32, #tpu.memory_space<hbm>> -> memref<64x768xf32, #tpu.memory_space<hbm>>
    %dma_start3A_8 = arith.constant 0 : i32
    %dma_start3A_9 = tpu.memref_slice %arg3[%add3A_6, %dma_start3A_8] : memref<16384x768xf32, #tpu.memory_space<hbm>> -> memref<64x768xf32, #tpu.memory_space<hbm>>
    tpu.enqueue_dma source(%arg5 : memref<64x768xf32, #tpu.memory_space<vmem>>) target(%dma_start3A_9 : memref<64x768xf32, #tpu.memory_space<hbm>>) target_semaphore(%arg6 : memref<!tpu.dma_semaphore, #tpu.memory_space<semaphore_mem>>)
    %add3A_10 = arith.constant 64 : i32
    %add3A_11 = arith.addi %add3A_4, %add3A_10 : i32
    %dma_start3A_12 = arith.constant 0 : i32
    %dma_start3A_13 = tpu.memref_slice %arg3[%add3A_11, %dma_start3A_12] : memref<16384x768xf32, #tpu.memory_space<hbm>> -> memref<64x768xf32, #tpu.memory_space<hbm>>
    %dma_start3A_14 = arith.constant 0 : i32
    %dma_start3A_15 = tpu.memref_slice %arg3[%add3A_11, %dma_start3A_14] : memref<16384x768xf32, #tpu.memory_space<hbm>> -> memref<64x768xf32, #tpu.memory_space<hbm>>
    tpu.enqueue_dma source(%arg5 : memref<64x768xf32, #tpu.memory_space<vmem>>) target(%dma_start3A_15 : memref<64x768xf32, #tpu.memory_space<hbm>>) target_semaphore(%arg6 : memref<!tpu.dma_semaphore, #tpu.memory_space<semaphore_mem>>)
    %add3A_16 = arith.constant 128 : i32
    %add3A_17 = arith.addi %add3A_4, %add3A_16 : i32
    %dma_start3A_18 = arith.constant 0 : i32
    %dma_start3A_19 = tpu.memref_slice %arg3[%add3A_17, %dma_start3A_18] : memref<16384x768xf32, #tpu.memory_space<hbm>> -> memref<64x768xf32, #tpu.memory_space<hbm>>
    %dma_start3A_20 = arith.constant 0 : i32
    %dma_start3A_21 = tpu.memref_slice %arg3[%add3A_17, %dma_start3A_20] : memref<16384x768xf32, #tpu.memory_space<hbm>> -> memref<64x768xf32, #tpu.memory_space<hbm>>
    tpu.enqueue_dma source(%arg5 : memref<64x768xf32, #tpu.memory_space<vmem>>) target(%dma_start3A_21 : memref<64x768xf32, #tpu.memory_space<hbm>>) target_semaphore(%arg6 : memref<!tpu.dma_semaphore, #tpu.memory_space<semaphore_mem>>)
    %add3A_22 = arith.constant 192 : i32
    %add3A_23 = arith.addi %add3A_4, %add3A_22 : i32
    %dma_start3A_24 = arith.constant 0 : i32
    %dma_start3A_25 = tpu.memref_slice %arg3[%add3A_23, %dma_start3A_24] : memref<16384x768xf32, #tpu.memory_space<hbm>> -> memref<64x768xf32, #tpu.memory_space<hbm>>
    %dma_start3A_26 = arith.constant 0 : i32
    %dma_start3A_27 = tpu.memref_slice %arg3[%add3A_23, %dma_start3A_26] : memref<16384x768xf32, #tpu.memory_space<hbm>> -> memref<64x768xf32, #tpu.memory_space<hbm>>
    tpu.enqueue_dma source(%arg5 : memref<64x768xf32, #tpu.memory_space<vmem>>) target(%dma_start3A_27 : memref<64x768xf32, #tpu.memory_space<hbm>>) target_semaphore(%arg6 : memref<!tpu.dma_semaphore, #tpu.memory_space<semaphore_mem>>)
    %add3A_28 = arith.constant 256 : i32
    %add3A_29 = arith.addi %add3A_4, %add3A_28 : i32
    %dma_start3A_30 = arith.constant 0 : i32
    %dma_start3A_31 = tpu.memref_slice %arg3[%add3A_29, %dma_start3A_30] : memref<16384x768xf32, #tpu.memory_space<hbm>> -> memref<64x768xf32, #tpu.memory_space<hbm>>
    %dma_start3A_32 = arith.constant 0 : i32
    %dma_start3A_33 = tpu.memref_slice %arg3[%add3A_29, %dma_start3A_32] : memref<16384x768xf32, #tpu.memory_space<hbm>> -> memref<64x768xf32, #tpu.memory_space<hbm>>
    tpu.enqueue_dma source(%arg5 : memref<64x768xf32, #tpu.memory_space<vmem>>) target(%dma_start3A_33 : memref<64x768xf32, #tpu.memory_space<hbm>>) target_semaphore(%arg6 : memref<!tpu.dma_semaphore, #tpu.memory_space<semaphore_mem>>)
    %add3A_34 = arith.constant 320 : i32
    %add3A_35 = arith.addi %add3A_4, %add3A_34 : i32
    %dma_start3A_36 = arith.constant 0 : i32
    %dma_start3A_37 = tpu.memref_slice %arg3[%add3A_35, %dma_start3A_36] : memref<16384x768xf32, #tpu.memory_space<hbm>> -> memref<64x768xf32, #tpu.memory_space<hbm>>
    %dma_start3A_38 = arith.constant 0 : i32
    %dma_start3A_39 = tpu.memref_slice %arg3[%add3A_35, %dma_start3A_38] : memref<16384x768xf32, #tpu.memory_space<hbm>> -> memref<64x768xf32, #tpu.memory_space<hbm>>
    tpu.enqueue_dma source(%arg5 : memref<64x768xf32, #tpu.memory_space<vmem>>) target(%dma_start3A_39 : memref<64x768xf32, #tpu.memory_space<hbm>>) target_semaphore(%arg6 : memref<!tpu.dma_semaphore, #tpu.memory_space<semaphore_mem>>)
    %add3A_40 = arith.constant 384 : i32
    %add3A_41 = arith.addi %add3A_4, %add3A_40 : i32
    %dma_start3A_42 = arith.constant 0 : i32
    %dma_start3A_43 = tpu.memref_slice %arg3[%add3A_41, %dma_start3A_42] : memref<16384x768xf32, #tpu.memory_space<hbm>> -> memref<64x768xf32, #tpu.memory_space<hbm>>
    %dma_start3A_44 = arith.constant 0 : i32
    %dma_start3A_45 = tpu.memref_slice %arg3[%add3A_41, %dma_start3A_44] : memref<16384x768xf32, #tpu.memory_space<hbm>> -> memref<64x768xf32, #tpu.memory_space<hbm>>
    tpu.enqueue_dma source(%arg5 : memref<64x768xf32, #tpu.memory_space<vmem>>) target(%dma_start3A_45 : memref<64x768xf32, #tpu.memory_space<hbm>>) target_semaphore(%arg6 : memref<!tpu.dma_semaphore, #tpu.memory_space<semaphore_mem>>)
    %add3A_46 = arith.constant 448 : i32
    %add3A_47 = arith.addi %add3A_4, %add3A_46 : i32
    %dma_start3A_48 = arith.constant 0 : i32
    %dma_start3A_49 = arith.constant 0 : i32
    %dma_start3A_50 = tpu.memref_slice %arg5[%dma_start3A_48, %dma_start3A_49] : memref<64x768xf32, #tpu.memory_space<vmem>> -> memref<48x768xf32, #tpu.memory_space<vmem>>
    %dma_start3A_51 = arith.constant 0 : i32
    %dma_start3A_52 = tpu.memref_slice %arg3[%add3A_47, %dma_start3A_51] : memref<16384x768xf32, #tpu.memory_space<hbm>> -> memref<48x768xf32, #tpu.memory_space<hbm>>
    %dma_start3A_53 = arith.constant 0 : i32
    %dma_start3A_54 = tpu.memref_slice %arg3[%add3A_47, %dma_start3A_53] : memref<16384x768xf32, #tpu.memory_space<hbm>> -> memref<48x768xf32, #tpu.memory_space<hbm>>
    %dma_start3A_55 = arith.constant 0 : i32
    %dma_start3A_56 = arith.constant 0 : i32
    %dma_start3A_57 = tpu.memref_slice %arg5[%dma_start3A_55, %dma_start3A_56] : memref<64x768xf32, #tpu.memory_space<vmem>> -> memref<48x768xf32, #tpu.memory_space<vmem>>
    tpu.enqueue_dma source(%dma_start3A_57 : memref<48x768xf32, #tpu.memory_space<vmem>>) target(%dma_start3A_54 : memref<48x768xf32, #tpu.memory_space<hbm>>) target_semaphore(%arg6 : memref<!tpu.dma_semaphore, #tpu.memory_space<semaphore_mem>>)
    %dma_wait3A = arith.constant 0 : i32
    %dma_wait3A_58 = tpu.memref_slice %arg3[%add3A_6, %dma_wait3A] : memref<16384x768xf32, #tpu.memory_space<hbm>> -> memref<64x768xf32, #tpu.memory_space<hbm>>
    %dma_wait3A_59 = arith.constant 0 : i32
    %dma_wait3A_60 = tpu.memref_slice %arg3[%add3A_6, %dma_wait3A_59] : memref<16384x768xf32, #tpu.memory_space<hbm>> -> memref<64x768xf32, #tpu.memory_space<hbm>>
    tpu.wait_dma2 semaphore(%arg6 : memref<!tpu.dma_semaphore, #tpu.memory_space<semaphore_mem>>) src(%arg5 : memref<64x768xf32, #tpu.memory_space<vmem>>) dst(%dma_wait3A_60 : memref<64x768xf32, #tpu.memory_space<hbm>>)
    %dma_wait3A_61 = arith.constant 0 : i32
    %dma_wait3A_62 = tpu.memref_slice %arg3[%add3A_11, %dma_wait3A_61] : memref<16384x768xf32, #tpu.memory_space<hbm>> -> memref<64x768xf32, #tpu.memory_space<hbm>>
    %dma_wait3A_63 = arith.constant 0 : i32
    %dma_wait3A_64 = tpu.memref_slice %arg3[%add3A_11, %dma_wait3A_63] : memref<16384x768xf32, #tpu.memory_space<hbm>> -> memref<64x768xf32, #tpu.memory_space<hbm>>
    tpu.wait_dma2 semaphore(%arg6 : memref<!tpu.dma_semaphore, #tpu.memory_space<semaphore_mem>>) src(%arg5 : memref<64x768xf32, #tpu.memory_space<vmem>>) dst(%dma_wait3A_64 : memref<64x768xf32, #tpu.memory_space<hbm>>)
    %dma_wait3A_65 = arith.constant 0 : i32
    %dma_wait3A_66 = tpu.memref_slice %arg3[%add3A_17, %dma_wait3A_65] : memref<16384x768xf32, #tpu.memory_space<hbm>> -> memref<64x768xf32, #tpu.memory_space<hbm>>
    %dma_wait3A_67 = arith.constant 0 : i32
    %dma_wait3A_68 = tpu.memref_slice %arg3[%add3A_17, %dma_wait3A_67] : memref<16384x768xf32, #tpu.memory_space<hbm>> -> memref<64x768xf32, #tpu.memory_space<hbm>>
    tpu.wait_dma2 semaphore(%arg6 : memref<!tpu.dma_semaphore, #tpu.memory_space<semaphore_mem>>) src(%arg5 : memref<64x768xf32, #tpu.memory_space<vmem>>) dst(%dma_wait3A_68 : memref<64x768xf32, #tpu.memory_space<hbm>>)
    %dma_wait3A_69 = arith.constant 0 : i32
    %dma_wait3A_70 = tpu.memref_slice %arg3[%add3A_23, %dma_wait3A_69] : memref<16384x768xf32, #tpu.memory_space<hbm>> -> memref<64x768xf32, #tpu.memory_space<hbm>>
    %dma_wait3A_71 = arith.constant 0 : i32
    %dma_wait3A_72 = tpu.memref_slice %arg3[%add3A_23, %dma_wait3A_71] : memref<16384x768xf32, #tpu.memory_space<hbm>> -> memref<64x768xf32, #tpu.memory_space<hbm>>
    tpu.wait_dma2 semaphore(%arg6 : memref<!tpu.dma_semaphore, #tpu.memory_space<semaphore_mem>>) src(%arg5 : memref<64x768xf32, #tpu.memory_space<vmem>>) dst(%dma_wait3A_72 : memref<64x768xf32, #tpu.memory_space<hbm>>)
    %dma_wait3A_73 = arith.constant 0 : i32
    %dma_wait3A_74 = tpu.memref_slice %arg3[%add3A_29, %dma_wait3A_73] : memref<16384x768xf32, #tpu.memory_space<hbm>> -> memref<64x768xf32, #tpu.memory_space<hbm>>
    %dma_wait3A_75 = arith.constant 0 : i32
    %dma_wait3A_76 = tpu.memref_slice %arg3[%add3A_29, %dma_wait3A_75] : memref<16384x768xf32, #tpu.memory_space<hbm>> -> memref<64x768xf32, #tpu.memory_space<hbm>>
    tpu.wait_dma2 semaphore(%arg6 : memref<!tpu.dma_semaphore, #tpu.memory_space<semaphore_mem>>) src(%arg5 : memref<64x768xf32, #tpu.memory_space<vmem>>) dst(%dma_wait3A_76 : memref<64x768xf32, #tpu.memory_space<hbm>>)
    %dma_wait3A_77 = arith.constant 0 : i32
    %dma_wait3A_78 = tpu.memref_slice %arg3[%add3A_35, %dma_wait3A_77] : memref<16384x768xf32, #tpu.memory_space<hbm>> -> memref<64x768xf32, #tpu.memory_space<hbm>>
    %dma_wait3A_79 = arith.constant 0 : i32
    %dma_wait3A_80 = tpu.memref_slice %arg3[%add3A_35, %dma_wait3A_79] : memref<16384x768xf32, #tpu.memory_space<hbm>> -> memref<64x768xf32, #tpu.memory_space<hbm>>
    tpu.wait_dma2 semaphore(%arg6 : memref<!tpu.dma_semaphore, #tpu.memory_space<semaphore_mem>>) src(%arg5 : memref<64x768xf32, #tpu.memory_space<vmem>>) dst(%dma_wait3A_80 : memref<64x768xf32, #tpu.memory_space<hbm>>)
    %dma_wait3A_81 = arith.constant 0 : i32
    %dma_wait3A_82 = tpu.memref_slice %arg3[%add3A_41, %dma_wait3A_81] : memref<16384x768xf32, #tpu.memory_space<hbm>> -> memref<64x768xf32, #tpu.memory_space<hbm>>
    %dma_wait3A_83 = arith.constant 0 : i32
    %dma_wait3A_84 = tpu.memref_slice %arg3[%add3A_41, %dma_wait3A_83] : memref<16384x768xf32, #tpu.memory_space<hbm>> -> memref<64x768xf32, #tpu.memory_space<hbm>>
    tpu.wait_dma2 semaphore(%arg6 : memref<!tpu.dma_semaphore, #tpu.memory_space<semaphore_mem>>) src(%arg5 : memref<64x768xf32, #tpu.memory_space<vmem>>) dst(%dma_wait3A_84 : memref<64x768xf32, #tpu.memory_space<hbm>>)
    %dma_wait3A_85 = arith.constant 0 : i32
    %dma_wait3A_86 = arith.constant 0 : i32
    %dma_wait3A_87 = tpu.memref_slice %arg5[%dma_wait3A_85, %dma_wait3A_86] : memref<64x768xf32, #tpu.memory_space<vmem>> -> memref<48x768xf32, #tpu.memory_space<vmem>>
    %dma_wait3A_88 = arith.constant 0 : i32
    %dma_wait3A_89 = tpu.memref_slice %arg3[%add3A_47, %dma_wait3A_88] : memref<16384x768xf32, #tpu.memory_space<hbm>> -> memref<48x768xf32, #tpu.memory_space<hbm>>
    %dma_wait3A_90 = arith.constant 0 : i32
    %dma_wait3A_91 = tpu.memref_slice %arg3[%add3A_47, %dma_wait3A_90] : memref<16384x768xf32, #tpu.memory_space<hbm>> -> memref<48x768xf32, #tpu.memory_space<hbm>>
    %dma_wait3A_92 = arith.constant 0 : i32
    %dma_wait3A_93 = arith.constant 0 : i32
    %dma_wait3A_94 = tpu.memref_slice %arg5[%dma_wait3A_92, %dma_wait3A_93] : memref<64x768xf32, #tpu.memory_space<vmem>> -> memref<48x768xf32, #tpu.memory_space<vmem>>
    tpu.wait_dma2 semaphore(%arg6 : memref<!tpu.dma_semaphore, #tpu.memory_space<semaphore_mem>>) src(%dma_wait3A_94 : memref<48x768xf32, #tpu.memory_space<vmem>>) dst(%dma_wait3A_91 : memref<48x768xf32, #tpu.memory_space<hbm>>)
    return
  }
}

#map = affine_map<(d0, d1) -> (0, 0)>
#map1 = affine_map<(d0, d1) -> (0)>
module attributes {stable_mosaic.version = 14 : i64} {
  func.func @_sc_gather_body(%arg0: i32, %arg1: i32, %arg2: memref<16384x768xf32, #tpu.memory_space<hbm>>, %arg3: memref<2048xi32, #tpu.memory_space<hbm>>, %arg4: memref<2048x768xf32, #tpu.memory_space<hbm>>, %arg5: memref<64xi32, #tpu.memory_space<vmem>>, %arg6: memref<64x768xf32, #tpu.memory_space<vmem>>, %arg7: memref<!tpu.dma_semaphore, #tpu.memory_space<semaphore_mem>>) attributes {dimension_semantics = [#tpu.dimension_semantics<core_parallel>, #tpu.dimension_semantics<subcore_parallel>], iteration_bounds = array<i64: 2, 16>, scalar_prefetch = 0 : i64, scratch_operands = 3 : i64, tpu.core_type = #tpu.core_type<sc_vector_subcore>, window_params = [{transform_indices = #map}, {transform_indices = #map1}, {transform_indices = #map}]} {
    %mul3A = arith.constant 2 : i32
    %mul3A_0 = arith.muli %arg1, %mul3A : i32
    %add3A = arith.addi %mul3A_0, %arg0 : i32
    %mul3A_1 = arith.constant 64 : i32
    %mul3A_2 = arith.muli %add3A, %mul3A_1 : i32
    "tpu.region"() ({
      %run_scoped3A = tpu.sem_alloc : memref<!tpu.dma_semaphore, #tpu.memory_space<semaphore_mem>>
      %dma_start3A_7 = tpu.memref_slice %arg3[%mul3A_2] : memref<2048xi32, #tpu.memory_space<hbm>> -> memref<64xi32, #tpu.memory_space<hbm>>
      %dma_start3A_8 = tpu.memref_slice %arg3[%mul3A_2] : memref<2048xi32, #tpu.memory_space<hbm>> -> memref<64xi32, #tpu.memory_space<hbm>>
      tpu.enqueue_dma source(%dma_start3A_8 : memref<64xi32, #tpu.memory_space<hbm>>) target(%arg5 : memref<64xi32, #tpu.memory_space<vmem>>) target_semaphore(%run_scoped3A : memref<!tpu.dma_semaphore, #tpu.memory_space<semaphore_mem>>)
      %dma_wait3A_9 = tpu.memref_slice %arg3[%mul3A_2] : memref<2048xi32, #tpu.memory_space<hbm>> -> memref<64xi32, #tpu.memory_space<hbm>>
      %dma_wait3A_10 = tpu.memref_slice %arg3[%mul3A_2] : memref<2048xi32, #tpu.memory_space<hbm>> -> memref<64xi32, #tpu.memory_space<hbm>>
      tpu.wait_dma2 semaphore(%run_scoped3A : memref<!tpu.dma_semaphore, #tpu.memory_space<semaphore_mem>>) src(%dma_wait3A_10 : memref<64xi32, #tpu.memory_space<hbm>>) dst(%arg5 : memref<64xi32, #tpu.memory_space<vmem>>)
      tpu.yield
    }) : () -> ()
    %dma_start3A = arith.constant 0 : i32
    %dma_start3A_3 = arith.constant 0 : i32
    %dma_start3A_4 = tpu.memref_slice %arg2[%dma_start3A, %dma_start3A_3] : memref<16384x768xf32, #tpu.memory_space<hbm>> -> memref<16384x768xf32, #tpu.memory_space<hbm>>
    tpu.enqueue_indirect_dma source(%dma_start3A_4 : memref<16384x768xf32, #tpu.memory_space<hbm>>) target(%arg6 : memref<64x768xf32, #tpu.memory_space<vmem>>) offsets(%arg5 : memref<64xi32, #tpu.memory_space<vmem>>) semaphore(%arg7 : memref<!tpu.dma_semaphore, #tpu.memory_space<semaphore_mem>>)
    %dma_wait3A = arith.constant 0 : i32
    %dma_wait3A_5 = arith.constant 0 : i32
    %dma_wait3A_6 = tpu.memref_slice %arg2[%dma_wait3A, %dma_wait3A_5] : memref<16384x768xf32, #tpu.memory_space<hbm>> -> memref<16384x768xf32, #tpu.memory_space<hbm>>
    tpu.wait_indirect_dma semaphore(%arg7 : memref<!tpu.dma_semaphore, #tpu.memory_space<semaphore_mem>>) src(%dma_wait3A_6 : memref<16384x768xf32, #tpu.memory_space<hbm>>) dst(%arg6 : memref<64x768xf32, #tpu.memory_space<vmem>>)
    "tpu.region"() ({
      %run_scoped3A = tpu.sem_alloc : memref<!tpu.dma_semaphore, #tpu.memory_space<semaphore_mem>>
      %dma_start3A_7 = arith.constant 0 : i32
      %dma_start3A_8 = tpu.memref_slice %arg4[%mul3A_2, %dma_start3A_7] : memref<2048x768xf32, #tpu.memory_space<hbm>> -> memref<64x768xf32, #tpu.memory_space<hbm>>
      %dma_start3A_9 = arith.constant 0 : i32
      %dma_start3A_10 = tpu.memref_slice %arg4[%mul3A_2, %dma_start3A_9] : memref<2048x768xf32, #tpu.memory_space<hbm>> -> memref<64x768xf32, #tpu.memory_space<hbm>>
      tpu.enqueue_dma source(%arg6 : memref<64x768xf32, #tpu.memory_space<vmem>>) target(%dma_start3A_10 : memref<64x768xf32, #tpu.memory_space<hbm>>) target_semaphore(%run_scoped3A : memref<!tpu.dma_semaphore, #tpu.memory_space<semaphore_mem>>)
      %dma_wait3A_11 = arith.constant 0 : i32
      %dma_wait3A_12 = tpu.memref_slice %arg4[%mul3A_2, %dma_wait3A_11] : memref<2048x768xf32, #tpu.memory_space<hbm>> -> memref<64x768xf32, #tpu.memory_space<hbm>>
      %dma_wait3A_13 = arith.constant 0 : i32
      %dma_wait3A_14 = tpu.memref_slice %arg4[%mul3A_2, %dma_wait3A_13] : memref<2048x768xf32, #tpu.memory_space<hbm>> -> memref<64x768xf32, #tpu.memory_space<hbm>>
      tpu.wait_dma2 semaphore(%run_scoped3A : memref<!tpu.dma_semaphore, #tpu.memory_space<semaphore_mem>>) src(%arg6 : memref<64x768xf32, #tpu.memory_space<vmem>>) dst(%dma_wait3A_14 : memref<64x768xf32, #tpu.memory_space<hbm>>)
      tpu.yield
    }) : () -> ()
    return
  }
}

#map = affine_map<(d0, d1) -> (0)>
#map1 = affine_map<(d0, d1) -> (0, 0)>
module attributes {stable_mosaic.version = 14 : i64} {
  func.func @new_body(%arg0: i32, %arg1: i32, %arg2: memref<1024xi32, #tpu.memory_space<hbm>>, %arg3: memref<1024xi32, #tpu.memory_space<hbm>>, %arg4: memref<1024x768xf32, #tpu.memory_space<hbm>>, %arg5: memref<16384x768xf32, #tpu.memory_space<hbm>>, %arg6: memref<16384x768xf32, #tpu.memory_space<hbm>>, %arg7: memref<32xi32, #tpu.memory_space<vmem>>, %arg8: memref<32xi32, #tpu.memory_space<vmem>>, %arg9: memref<32x768xf32, #tpu.memory_space<vmem>>, %arg10: memref<!tpu.dma_semaphore, #tpu.memory_space<semaphore_mem>>) attributes {dimension_semantics = [#tpu.dimension_semantics<core_parallel>, #tpu.dimension_semantics<subcore_parallel>], iteration_bounds = array<i64: 2, 16>, scalar_prefetch = 0 : i64, scratch_operands = 4 : i64, tpu.core_type = #tpu.core_type<sc_vector_subcore>, window_params = [{transform_indices = #map}, {transform_indices = #map}, {transform_indices = #map1}, {transform_indices = #map1}, {transform_indices = #map1}]} {
    %mul3A = arith.constant 2 : i32
    %mul3A_0 = arith.muli %arg1, %mul3A : i32
    %add3A = arith.addi %mul3A_0, %arg0 : i32
    %mul3A_1 = arith.constant 32 : i32
    %mul3A_2 = arith.muli %add3A, %mul3A_1 : i32
    "tpu.region"() ({
      %run_scoped3A = tpu.sem_alloc : memref<!tpu.dma_semaphore, #tpu.memory_space<semaphore_mem>>
      %dma_start3A_15 = tpu.memref_slice %arg2[%mul3A_2] : memref<1024xi32, #tpu.memory_space<hbm>> -> memref<32xi32, #tpu.memory_space<hbm>>
      %dma_start3A_16 = tpu.memref_slice %arg2[%mul3A_2] : memref<1024xi32, #tpu.memory_space<hbm>> -> memref<32xi32, #tpu.memory_space<hbm>>
      tpu.enqueue_dma source(%dma_start3A_16 : memref<32xi32, #tpu.memory_space<hbm>>) target(%arg7 : memref<32xi32, #tpu.memory_space<vmem>>) target_semaphore(%run_scoped3A : memref<!tpu.dma_semaphore, #tpu.memory_space<semaphore_mem>>)
      %dma_wait3A_17 = tpu.memref_slice %arg2[%mul3A_2] : memref<1024xi32, #tpu.memory_space<hbm>> -> memref<32xi32, #tpu.memory_space<hbm>>
      %dma_wait3A_18 = tpu.memref_slice %arg2[%mul3A_2] : memref<1024xi32, #tpu.memory_space<hbm>> -> memref<32xi32, #tpu.memory_space<hbm>>
      tpu.wait_dma2 semaphore(%run_scoped3A : memref<!tpu.dma_semaphore, #tpu.memory_space<semaphore_mem>>) src(%dma_wait3A_18 : memref<32xi32, #tpu.memory_space<hbm>>) dst(%arg7 : memref<32xi32, #tpu.memory_space<vmem>>)
      tpu.yield
    }) : () -> ()
    %mul3A_3 = arith.constant 32 : i32
    %mul3A_4 = arith.muli %add3A, %mul3A_3 : i32
    "tpu.region"() ({
      %run_scoped3A = tpu.sem_alloc : memref<!tpu.dma_semaphore, #tpu.memory_space<semaphore_mem>>
      %dma_start3A_15 = tpu.memref_slice %arg3[%mul3A_4] : memref<1024xi32, #tpu.memory_space<hbm>> -> memref<32xi32, #tpu.memory_space<hbm>>
      %dma_start3A_16 = tpu.memref_slice %arg3[%mul3A_4] : memref<1024xi32, #tpu.memory_space<hbm>> -> memref<32xi32, #tpu.memory_space<hbm>>
      tpu.enqueue_dma source(%dma_start3A_16 : memref<32xi32, #tpu.memory_space<hbm>>) target(%arg8 : memref<32xi32, #tpu.memory_space<vmem>>) target_semaphore(%run_scoped3A : memref<!tpu.dma_semaphore, #tpu.memory_space<semaphore_mem>>)
      %dma_wait3A_17 = tpu.memref_slice %arg3[%mul3A_4] : memref<1024xi32, #tpu.memory_space<hbm>> -> memref<32xi32, #tpu.memory_space<hbm>>
      %dma_wait3A_18 = tpu.memref_slice %arg3[%mul3A_4] : memref<1024xi32, #tpu.memory_space<hbm>> -> memref<32xi32, #tpu.memory_space<hbm>>
      tpu.wait_dma2 semaphore(%run_scoped3A : memref<!tpu.dma_semaphore, #tpu.memory_space<semaphore_mem>>) src(%dma_wait3A_18 : memref<32xi32, #tpu.memory_space<hbm>>) dst(%arg8 : memref<32xi32, #tpu.memory_space<vmem>>)
      tpu.yield
    }) : () -> ()
    %dma_start3A = arith.constant 0 : i32
    %dma_start3A_5 = arith.constant 0 : i32
    %dma_start3A_6 = tpu.memref_slice %arg4[%dma_start3A, %dma_start3A_5] : memref<1024x768xf32, #tpu.memory_space<hbm>> -> memref<1024x768xf32, #tpu.memory_space<hbm>>
    tpu.enqueue_indirect_dma source(%dma_start3A_6 : memref<1024x768xf32, #tpu.memory_space<hbm>>) target(%arg9 : memref<32x768xf32, #tpu.memory_space<vmem>>) offsets(%arg7 : memref<32xi32, #tpu.memory_space<vmem>>) semaphore(%arg10 : memref<!tpu.dma_semaphore, #tpu.memory_space<semaphore_mem>>)
    %dma_wait3A = arith.constant 0 : i32
    %dma_wait3A_7 = arith.constant 0 : i32
    %dma_wait3A_8 = tpu.memref_slice %arg4[%dma_wait3A, %dma_wait3A_7] : memref<1024x768xf32, #tpu.memory_space<hbm>> -> memref<1024x768xf32, #tpu.memory_space<hbm>>
    tpu.wait_indirect_dma semaphore(%arg10 : memref<!tpu.dma_semaphore, #tpu.memory_space<semaphore_mem>>) src(%dma_wait3A_8 : memref<1024x768xf32, #tpu.memory_space<hbm>>) dst(%arg9 : memref<32x768xf32, #tpu.memory_space<vmem>>)
    %dma_start3A_9 = arith.constant 0 : i32
    %dma_start3A_10 = arith.constant 0 : i32
    %dma_start3A_11 = tpu.memref_slice %arg5[%dma_start3A_9, %dma_start3A_10] : memref<16384x768xf32, #tpu.memory_space<hbm>> -> memref<16384x768xf32, #tpu.memory_space<hbm>>
    tpu.enqueue_indirect_dma source(%arg9 : memref<32x768xf32, #tpu.memory_space<vmem>>) target(%dma_start3A_11 : memref<16384x768xf32, #tpu.memory_space<hbm>>) offsets(%arg8 : memref<32xi32, #tpu.memory_space<vmem>>) semaphore(%arg10 : memref<!tpu.dma_semaphore, #tpu.memory_space<semaphore_mem>>)
    %dma_wait3A_12 = arith.constant 0 : i32
    %dma_wait3A_13 = arith.constant 0 : i32
    %dma_wait3A_14 = tpu.memref_slice %arg5[%dma_wait3A_12, %dma_wait3A_13] : memref<16384x768xf32, #tpu.memory_space<hbm>> -> memref<16384x768xf32, #tpu.memory_space<hbm>>
    tpu.wait_indirect_dma semaphore(%arg10 : memref<!tpu.dma_semaphore, #tpu.memory_space<semaphore_mem>>) src(%arg9 : memref<32x768xf32, #tpu.memory_space<vmem>>) dst(%dma_wait3A_14 : memref<16384x768xf32, #tpu.memory_space<hbm>>)
    return
  }
}

module attributes {stable_mosaic.version = 14 : i64} {
  func.func @_tc_fill_body(%arg0: i32, %arg1: memref<1x768xf32, #tpu.memory_space<vmem>>, %arg2: memref<512x768xf32, #tpu.memory_space<vmem>>, %arg3: memref<64x768xf32, #tpu.memory_space<vmem>>) attributes {dimension_semantics = [#tpu.dimension_semantics<arbitrary>], iteration_bounds = array<i64: 1>, scalar_prefetch = 0 : i64, scratch_operands = 0 : i64, tpu.core_type = #tpu.core_type<tc>, window_params = [{pipeline_mode = #tpu.pipeline_mode<synchronous>, transform_indices = @transform_0, window_bounds = array<i64: 1, 768>}, {transform_indices = @transform_1, window_bounds = array<i64: 512, 768>}, {pipeline_mode = #tpu.pipeline_mode<synchronous>, transform_indices = @transform_2, window_bounds = array<i64: 64, 768>}]} {
    %get3A = arith.constant 0 : index
    %get3A_0 = arith.constant 0 : index
    %get3A_1 = vector.load %arg1[%get3A, %get3A_0] : memref<1x768xf32, #tpu.memory_space<vmem>>, vector<1x768xf32>
    %broadcast_in_dim3A = vector.shape_cast %get3A_1 : vector<1x768xf32> to vector<1x768xf32>
    %broadcast_in_dim3A_2 = vector.broadcast %broadcast_in_dim3A : vector<1x768xf32> to vector<512x768xf32>
    %swap3A = arith.constant 0 : index
    %swap3A_3 = arith.constant 0 : index
    %swap3A_4 = vector.load %arg2[%swap3A, %swap3A_3] : memref<512x768xf32, #tpu.memory_space<vmem>>, vector<512x768xf32>
    tpu.vector_store %arg2[%swap3A, %swap3A_3], %broadcast_in_dim3A_2 {strides = array<i32>} : memref<512x768xf32, #tpu.memory_space<vmem>>, vector<512x768xf32>,
    %get3A_5 = arith.constant 0 : index
    %get3A_6 = arith.constant 0 : index
    %get3A_7 = vector.load %arg1[%get3A_5, %get3A_6] : memref<1x768xf32, #tpu.memory_space<vmem>>, vector<1x768xf32>
    %broadcast_in_dim3A_8 = vector.shape_cast %get3A_7 : vector<1x768xf32> to vector<1x768xf32>
    %broadcast_in_dim3A_9 = vector.broadcast %broadcast_in_dim3A_8 : vector<1x768xf32> to vector<64x768xf32>
    %swap3A_10 = arith.constant 0 : index
    %swap3A_11 = arith.constant 0 : index
    %swap3A_12 = vector.load %arg3[%swap3A_10, %swap3A_11] : memref<64x768xf32, #tpu.memory_space<vmem>>, vector<64x768xf32>
    tpu.vector_store %arg3[%swap3A_10, %swap3A_11], %broadcast_in_dim3A_9 {strides = array<i32>} : memref<64x768xf32, #tpu.memory_space<vmem>>, vector<64x768xf32>,
    return
  }
  func.func @transform_0(%arg0: i32) -> (i32, i32) {
    %c0_i32 = arith.constant 0 : i32
    %c0_i32_0 = arith.constant 0 : i32
    %c0_i32_1 = arith.constant 0 : i32
    return %c0_i32, %c0_i32_0 : i32, i32
  }
  func.func @transform_1(%arg0: i32) -> (i32, i32) {
    %c0_i32 = arith.constant 0 : i32
    %c0_i32_0 = arith.constant 0 : i32
    return %arg0, %c0_i32 : i32, i32
  }
  func.func @transform_2(%arg0: i32) -> (i32, i32) {
    %c0_i32 = arith.constant 0 : i32
    %c0_i32_0 = arith.constant 0 : i32
    %c0_i32_1 = arith.constant 0 : i32
    return %c0_i32, %c0_i32_0 : i32, i32
  }
}

module attributes {stable_mosaic.version = 14 : i64} {
  func.func @_tc_body(%arg0: memref<2048x768xf32, #tpu.memory_space<vmem>>, %arg1: memref<768x768xf32, #tpu.memory_space<vmem>>, %arg2: memref<768x768xf32, #tpu.memory_space<vmem>>, %arg3: memref<768x768xf32, #tpu.memory_space<vmem>>, %arg4: memref<768x768xf32, #tpu.memory_space<vmem>>, %arg5: memref<1x768xf32, #tpu.memory_space<vmem>>, %arg6: memref<1x768xf32, #tpu.memory_space<vmem>>, %arg7: memref<1x768xf32, #tpu.memory_space<vmem>>, %arg8: memref<1x768xf32, #tpu.memory_space<vmem>>, %arg9: memref<768x768xf32, #tpu.memory_space<vmem>>, %arg10: memref<768x768xf32, #tpu.memory_space<vmem>>, %arg11: memref<1x768xf32, #tpu.memory_space<vmem>>, %arg12: memref<12x768xf32, #tpu.memory_space<vmem>>, %arg13: memref<1x12xf32, #tpu.memory_space<vmem>>, %arg14: memref<1x12xf32, #tpu.memory_space<vmem>>, %arg15: memref<768x12xf32, #tpu.memory_space<vmem>>, %arg16: memref<1024x768xf32, #tpu.memory_space<vmem>>) attributes {dimension_semantics = [], scalar_prefetch = 0 : i64, scratch_operands = 0 : i64, tpu.core_type = #tpu.core_type<tc>} {
    %get3A = arith.constant 0 : index
    %get3A_0 = arith.constant 0 : index
    %get3A_1 = vector.load %arg0[%get3A, %get3A_0] : memref<2048x768xf32, #tpu.memory_space<vmem>>, vector<1024x768xf32>
    %get3A_2 = arith.constant 1024 : index
    %get3A_3 = arith.constant 0 : index
    %get3A_4 = vector.load %arg0[%get3A_2, %get3A_3] : memref<2048x768xf32, #tpu.memory_space<vmem>>, vector<1024x768xf32>
    %get3A_5 = arith.constant 0 : index
    %get3A_6 = arith.constant 0 : index
    %get3A_7 = vector.load %arg1[%get3A_5, %get3A_6] : memref<768x768xf32, #tpu.memory_space<vmem>>, vector<768x768xf32>
    %dot_general3A = arith.constant dense<0.000000e+00> : vector<1024x768xf32>
    %dot_general3A_8 = tpu.matmul %get3A_1, %get3A_7, %dot_general3A {dimension_numbers = #tpu.dot_dimension_numbers<[1], [1], [0], [0], [0, 0, 1, 0], [], []>, transpose_lhs_hint = false} : vector<1024x768xf32>, vector<768x768xf32>, vector<1024x768xf32> -> vector<1024x768xf32>
    %get3A_9 = arith.constant 0 : index
    %get3A_10 = arith.constant 0 : index
    %get3A_11 = vector.load %arg5[%get3A_9, %get3A_10] : memref<1x768xf32, #tpu.memory_space<vmem>>, vector<1x768xf32>
    %add3A = vector.broadcast %get3A_11 : vector<1x768xf32> to vector<1024x768xf32>
    %add3A_12 = arith.addf %dot_general3A_8, %add3A : vector<1024x768xf32>
    %get3A_13 = arith.constant 0 : index
    %get3A_14 = arith.constant 0 : index
    %get3A_15 = vector.load %arg2[%get3A_13, %get3A_14] : memref<768x768xf32, #tpu.memory_space<vmem>>, vector<768x768xf32>
    %dot_general3A_16 = arith.constant dense<0.000000e+00> : vector<1024x768xf32>
    %dot_general3A_17 = tpu.matmul %get3A_4, %get3A_15, %dot_general3A_16 {dimension_numbers = #tpu.dot_dimension_numbers<[1], [1], [0], [0], [0, 0, 1, 0], [], []>, transpose_lhs_hint = false} : vector<1024x768xf32>, vector<768x768xf32>, vector<1024x768xf32> -> vector<1024x768xf32>
    %get3A_18 = arith.constant 0 : index
    %get3A_19 = arith.constant 0 : index
    %get3A_20 = vector.load %arg6[%get3A_18, %get3A_19] : memref<1x768xf32, #tpu.memory_space<vmem>>, vector<1x768xf32>
    %add3A_21 = vector.broadcast %get3A_20 : vector<1x768xf32> to vector<1024x768xf32>
    %add3A_22 = arith.addf %dot_general3A_17, %add3A_21 : vector<1024x768xf32>
    %get3A_23 = arith.constant 0 : index
    %get3A_24 = arith.constant 0 : index
    %get3A_25 = vector.load %arg3[%get3A_23, %get3A_24] : memref<768x768xf32, #tpu.memory_space<vmem>>, vector<768x768xf32>
    %dot_general3A_26 = arith.constant dense<0.000000e+00> : vector<1024x768xf32>
    %dot_general3A_27 = tpu.matmul %get3A_4, %get3A_25, %dot_general3A_26 {dimension_numbers = #tpu.dot_dimension_numbers<[1], [1], [0], [0], [0, 0, 1, 0], [], []>, transpose_lhs_hint = false} : vector<1024x768xf32>, vector<768x768xf32>, vector<1024x768xf32> -> vector<1024x768xf32>
    %get3A_28 = arith.constant 0 : index
    %get3A_29 = arith.constant 0 : index
    %get3A_30 = vector.load %arg7[%get3A_28, %get3A_29] : memref<1x768xf32, #tpu.memory_space<vmem>>, vector<1x768xf32>
    %add3A_31 = vector.broadcast %get3A_30 : vector<1x768xf32> to vector<1024x768xf32>
    %add3A_32 = arith.addf %dot_general3A_27, %add3A_31 : vector<1024x768xf32>
    %get3A_33 = arith.constant 0 : index
    %get3A_34 = arith.constant 0 : index
    %get3A_35 = vector.load %arg9[%get3A_33, %get3A_34] : memref<768x768xf32, #tpu.memory_space<vmem>>, vector<768x768xf32>
    %dot_general3A_36 = arith.constant dense<0.000000e+00> : vector<1024x768xf32>
    %dot_general3A_37 = tpu.matmul %add3A_12, %get3A_35, %dot_general3A_36 {dimension_numbers = #tpu.dot_dimension_numbers<[1], [1], [0], [0], [0, 0, 1, 0], [], []>, transpose_lhs_hint = false} : vector<1024x768xf32>, vector<768x768xf32>, vector<1024x768xf32> -> vector<1024x768xf32>
    %get3A_38 = arith.constant 0 : index
    %get3A_39 = arith.constant 0 : index
    %get3A_40 = vector.load %arg10[%get3A_38, %get3A_39] : memref<768x768xf32, #tpu.memory_space<vmem>>, vector<768x768xf32>
    %dot_general3A_41 = arith.constant dense<0.000000e+00> : vector<1024x768xf32>
    %dot_general3A_42 = tpu.matmul %add3A_22, %get3A_40, %dot_general3A_41 {dimension_numbers = #tpu.dot_dimension_numbers<[1], [1], [0], [0], [0, 0, 1, 0], [], []>, transpose_lhs_hint = false} : vector<1024x768xf32>, vector<768x768xf32>, vector<1024x768xf32> -> vector<1024x768xf32>
    %add3A_43 = arith.addf %dot_general3A_37, %dot_general3A_42 : vector<1024x768xf32>
    %get3A_44 = arith.constant 0 : index
    %get3A_45 = arith.constant 0 : index
    %get3A_46 = vector.load %arg11[%get3A_44, %get3A_45] : memref<1x768xf32, #tpu.memory_space<vmem>>, vector<1x768xf32>
    %add3A_47 = vector.broadcast %get3A_46 : vector<1x768xf32> to vector<1024x768xf32>
    %add3A_48 = arith.addf %add3A_43, %add3A_47 : vector<1024x768xf32>
    %mul3A = arith.constant 5.000000e-01 : f32
    %mul3A_49 = vector.broadcast %mul3A : f32 to vector<1024x768xf32>
    %mul3A_50 = arith.mulf %mul3A_49, %add3A_48 : vector<1024x768xf32>
    %mul3A_51 = arith.constant 0.707106769 : f32
    %mul3A_52 = vector.broadcast %mul3A_51 : f32 to vector<1024x768xf32>
    %mul3A_53 = arith.mulf %add3A_48, %mul3A_52 : vector<1024x768xf32>
    %erf3A = math.erf %mul3A_53 : vector<1024x768xf32>
    %add3A_54 = arith.constant 1.000000e+00 : f32
    %add3A_55 = vector.broadcast %add3A_54 : f32 to vector<1024x768xf32>
    %add3A_56 = arith.addf %add3A_55, %erf3A : vector<1024x768xf32>
    %mul3A_57 = arith.mulf %mul3A_50, %add3A_56 : vector<1024x768xf32>
    %get3A_58 = arith.constant 0 : index
    %get3A_59 = arith.constant 0 : index
    %get3A_60 = vector.load %arg12[%get3A_58, %get3A_59] : memref<12x768xf32, #tpu.memory_space<vmem>>, vector<12x768xf32>
    %dot_general3A_61 = arith.constant dense<0.000000e+00> : vector<1024x12xf32>
    %dot_general3A_62 = tpu.matmul %mul3A_57, %get3A_60, %dot_general3A_61 {dimension_numbers = #tpu.dot_dimension_numbers<[1], [1], [0], [0], [0, 0, 1, 0], [], []>, transpose_lhs_hint = false} : vector<1024x768xf32>, vector<12x768xf32>, vector<1024x12xf32> -> vector<1024x12xf32>
    %get3A_63 = arith.constant 0 : index
    %get3A_64 = arith.constant 0 : index
    %get3A_65 = vector.load %arg13[%get3A_63, %get3A_64] : memref<1x12xf32, #tpu.memory_space<vmem>>, vector<1x12xf32>
    %add3A_66 = vector.broadcast %get3A_65 : vector<1x12xf32> to vector<1024x12xf32>
    %add3A_67 = arith.addf %dot_general3A_62, %add3A_66 : vector<1024x12xf32>
    %mul3A_68 = arith.constant 1.250000e-01 : f32
    %mul3A_69 = vector.broadcast %mul3A_68 : f32 to vector<1024x12xf32>
    %mul3A_70 = arith.mulf %add3A_67, %mul3A_69 : vector<1024x12xf32>
    %iota3A = tpu.iota {dimensions = array<i32: 0>} : vector<1024x1xi32>
    %rem3A = arith.constant 512 : i32
    %rem3A_71 = vector.broadcast %rem3A : i32 to vector<1024x1xi32>
    %rem3A_72 = arith.remsi %iota3A, %rem3A_71 : vector<1024x1xi32>
    %lt3A = arith.constant 500 : i32
    %lt3A_73 = vector.broadcast %lt3A : i32 to vector<1024x1xi32>
    %lt3A_74 = arith.cmpi slt, %rem3A_72, %lt3A_73 : vector<1024x1xi32>
    %jit3A = arith.constant -1.000000e+30 : f32
    %broadcast_in_dim3A = vector.shape_cast %lt3A_74 : vector<1024x1xi1> to vector<1024x1xi1>
    %broadcast_in_dim3A_75 = vector.broadcast %broadcast_in_dim3A : vector<1024x1xi1> to vector<1024x12xi1>
    %broadcast_in_dim3A_76 = vector.broadcast %jit3A : f32 to vector<1024x12xf32>
    %select_n3A = arith.select %broadcast_in_dim3A_75, %mul3A_70, %broadcast_in_dim3A_76 : vector<1024x12xi1>, vector<1024x12xf32>
    %slice3A = vector.extract_strided_slice %select_n3A {offsets = [0, 0], sizes = [512, 12], strides = [1, 1]} : vector<1024x12xf32> to vector<512x12xf32>
    %reduce_max3A = arith.constant dense<0xFF800000> : vector<12xf32>
    %reduce_max3A_77 = vector.multi_reduction <maximumf>, %slice3A, %reduce_max3A [0] : vector<512x12xf32> to vector<12xf32>
    %broadcast_in_dim3A_78 = vector.shape_cast %reduce_max3A_77 : vector<12xf32> to vector<1x12xf32>
    %sub3A = vector.broadcast %broadcast_in_dim3A_78 : vector<1x12xf32> to vector<512x12xf32>
    %sub3A_79 = arith.subf %slice3A, %sub3A : vector<512x12xf32>
    %exp3A = math.exp %sub3A_79 : vector<512x12xf32>
    %slice3A_80 = vector.extract_strided_slice %select_n3A {offsets = [512, 0], sizes = [512, 12], strides = [1, 1]} : vector<1024x12xf32> to vector<512x12xf32>
    %reduce_max3A_81 = arith.constant dense<0xFF800000> : vector<12xf32>
    %reduce_max3A_82 = vector.multi_reduction <maximumf>, %slice3A_80, %reduce_max3A_81 [0] : vector<512x12xf32> to vector<12xf32>
    %broadcast_in_dim3A_83 = vector.shape_cast %reduce_max3A_82 : vector<12xf32> to vector<1x12xf32>
    %sub3A_84 = vector.broadcast %broadcast_in_dim3A_83 : vector<1x12xf32> to vector<512x12xf32>
    %sub3A_85 = arith.subf %slice3A_80, %sub3A_84 : vector<512x12xf32>
    %exp3A_86 = math.exp %sub3A_85 : vector<512x12xf32>
    %concatenate3A = tpu.concatenate %exp3A, %exp3A_86 in 0 : vector<512x12xf32>, vector<512x12xf32> -> vector<1024x12xf32>
    %jit3A_87 = arith.constant 0.000000e+00 : f32
    %broadcast_in_dim3A_88 = vector.shape_cast %lt3A_74 : vector<1024x1xi1> to vector<1024x1xi1>
    %broadcast_in_dim3A_89 = vector.broadcast %broadcast_in_dim3A_88 : vector<1024x1xi1> to vector<1024x12xi1>
    %broadcast_in_dim3A_90 = vector.broadcast %jit3A_87 : f32 to vector<1024x12xf32>
    %select_n3A_91 = arith.select %broadcast_in_dim3A_89, %concatenate3A, %broadcast_in_dim3A_90 : vector<1024x12xi1>, vector<1024x12xf32>
    %slice3A_92 = vector.extract_strided_slice %select_n3A_91 {offsets = [0, 0], sizes = [512, 12], strides = [1, 1]} : vector<1024x12xf32> to vector<512x12xf32>
    %reduce_sum3A = arith.constant dense<0.000000e+00> : vector<12xf32>
    %reduce_sum3A_93 = vector.multi_reduction <add>, %slice3A_92, %reduce_sum3A [0] : vector<512x12xf32> to vector<12xf32>
    %broadcast_in_dim3A_94 = vector.shape_cast %reduce_sum3A_93 : vector<12xf32> to vector<1x12xf32>
    %broadcast_in_dim3A_95 = vector.shape_cast %broadcast_in_dim3A_94 : vector<1x12xf32> to vector<1x12xf32>
    %broadcast_in_dim3A_96 = vector.broadcast %broadcast_in_dim3A_95 : vector<1x12xf32> to vector<512x12xf32>
    %slice3A_97 = vector.extract_strided_slice %select_n3A_91 {offsets = [512, 0], sizes = [512, 12], strides = [1, 1]} : vector<1024x12xf32> to vector<512x12xf32>
    %reduce_sum3A_98 = arith.constant dense<0.000000e+00> : vector<12xf32>
    %reduce_sum3A_99 = vector.multi_reduction <add>, %slice3A_97, %reduce_sum3A_98 [0] : vector<512x12xf32> to vector<12xf32>
    %broadcast_in_dim3A_100 = vector.shape_cast %reduce_sum3A_99 : vector<12xf32> to vector<1x12xf32>
    %broadcast_in_dim3A_101 = vector.shape_cast %broadcast_in_dim3A_100 : vector<1x12xf32> to vector<1x12xf32>
    %broadcast_in_dim3A_102 = vector.broadcast %broadcast_in_dim3A_101 : vector<1x12xf32> to vector<512x12xf32>
    %concatenate3A_103 = tpu.concatenate %broadcast_in_dim3A_96, %broadcast_in_dim3A_102 in 0 : vector<512x12xf32>, vector<512x12xf32> -> vector<1024x12xf32>
    %div3A = arith.divf %select_n3A_91, %concatenate3A_103 : vector<1024x12xf32>
    %get3A_104 = arith.constant 0 : index
    %get3A_105 = arith.constant 0 : index
    %get3A_106 = vector.load %arg14[%get3A_104, %get3A_105] : memref<1x12xf32, #tpu.memory_space<vmem>>, vector<1x12xf32>
    %mul3A_107 = vector.broadcast %get3A_106 : vector<1x12xf32> to vector<1024x12xf32>
    %mul3A_108 = arith.mulf %div3A, %mul3A_107 : vector<1024x12xf32>
    %get3A_109 = arith.constant 0 : index
    %get3A_110 = arith.constant 0 : index
    %get3A_111 = vector.load %arg15[%get3A_109, %get3A_110] : memref<768x12xf32, #tpu.memory_space<vmem>>, vector<768x12xf32>
    %dot_general3A_112 = arith.constant dense<0.000000e+00> : vector<1024x768xf32>
    %dot_general3A_113 = tpu.matmul %mul3A_108, %get3A_111, %dot_general3A_112 {dimension_numbers = #tpu.dot_dimension_numbers<[1], [1], [0], [0], [0, 0, 1, 0], [], []>, transpose_lhs_hint = false} : vector<1024x12xf32>, vector<768x12xf32>, vector<1024x768xf32> -> vector<1024x768xf32>
    %mul3A_114 = arith.mulf %dot_general3A_113, %add3A_32 : vector<1024x768xf32>
    %get3A_115 = arith.constant 0 : index
    %get3A_116 = arith.constant 0 : index
    %get3A_117 = vector.load %arg4[%get3A_115, %get3A_116] : memref<768x768xf32, #tpu.memory_space<vmem>>, vector<768x768xf32>
    %dot_general3A_118 = arith.constant dense<0.000000e+00> : vector<1024x768xf32>
    %dot_general3A_119 = tpu.matmul %mul3A_114, %get3A_117, %dot_general3A_118 {dimension_numbers = #tpu.dot_dimension_numbers<[1], [1], [0], [0], [0, 0, 1, 0], [], []>, transpose_lhs_hint = false} : vector<1024x768xf32>, vector<768x768xf32>, vector<1024x768xf32> -> vector<1024x768xf32>
    %get3A_120 = arith.constant 0 : index
    %get3A_121 = arith.constant 0 : index
    %get3A_122 = vector.load %arg8[%get3A_120, %get3A_121] : memref<1x768xf32, #tpu.memory_space<vmem>>, vector<1x768xf32>
    %add3A_123 = vector.broadcast %get3A_122 : vector<1x768xf32> to vector<1024x768xf32>
    %add3A_124 = arith.addf %dot_general3A_119, %add3A_123 : vector<1024x768xf32>
    %swap3A = arith.constant 0 : index
    %swap3A_125 = arith.constant 0 : index
    %swap3A_126 = vector.load %arg16[%swap3A, %swap3A_125] : memref<1024x768xf32, #tpu.memory_space<vmem>>, vector<1024x768xf32>
    tpu.vector_store %arg16[%swap3A, %swap3A_125], %add3A_124 {strides = array<i32>} : memref<1024x768xf32, #tpu.memory_space<vmem>>, vector<1024x768xf32>,
    return
  }
}

</mosaic_0001>

<sc_bundles>
// kernel: kernel.10.cloned.1.call-start
scs
__scs_entry_jumppad:
0x0: {  	(pc) =	sbr.rel $0x88, $3  }
0x1: {  	(tag) =	ssettag $0x0;
	lr =	simm.s32 $0x1  }
0x2: {  	[smem:$0x3F93] =	sst lr;
	_ =	strace $0xD0000000  }
0x3: {  	_ = 	snop  }
0x4: {  	_ = 	snop  }
0x5: {  	_ = 	snop  }
0x6: {  	_ = 	snop  }
0x7: {  	_ = 	snop  }
__scs_overlays_trampoline_lowered:
0x8: {  	[smem:$0x3FA2] =	sst s0  }
0x9: {  	[smem:$0x3FA3] =	sst s1  }
0xa: {  	[smem:$0x3FA4] =	sst s2  }
0xb: {  	[smem:$0x3FA5] =	sst s3  }
0xc: {  	[smem:$0x3FA6] =	sst s4  }
0xd: {  	[smem:$0x3FA7] =	sst s5  }
0xe: {  	[smem:$0x3FA8] =	sst s6  }
0xf: {  	[smem:$0x3FA9] =	sst s7  }
0x10: {  	[smem:$0x3FAA] =	sst s8  }
0x11: {  	[smem:$0x3FAB] =	sst s9;
	s0 =	simm.s32 @!p0 $0x0  }
0x12: {  	s1 =	sld [smem:$0x3F91];
	s0 =	simm.s32 @p0 $0x1  }
0x13: {  	[smem:$0x3FAC] =	sst s0;
	s0 =	simm.s32 @!p1 $0x0  }
0x14: {  	s2 =	sld [smem:$0x3F90];
	s0 =	simm.s32 @p1 $0x1  }
0x15: {  	[smem:$0x3FAD] =	sst s0;
	s0 =	simm.s32 @!p2 $0x0  }
0x16: {  	s3 =	sld [smem:$0x3FDB];
	s0 =	simm.s32 @p2 $0x1  }
0x17: {  	s4 =	simm.s32 $0x1BF5;
	[smem:$0x3FAF] =	sst s0  }
0x18: {  	s0 =	sld [smem:$0x3F92];
	_ =	swait.ge [sflag:s4], $0x0  }
0x19: {  	s7 =	sld [smem:$0x3F93]  }
0x1a: {  	s8 =	sadd.s32 $0xFFFFE003, lr  }
0x1b: {  	s9 =	sadd.s32 $0xFFFFFEF7, lr;
	s5 =	simm.s32 $0xFFFFFFFF;
	p2 =	slt.u32 s8, $0xFFFFF086  }
0x1c: {  	p1 =	slt.u32 s9, $0xF7A;
	s5 =	simm.s32 @!p2 $0x0  }
0x1d: {  	s5 =	simm.s32 @p1 $0x1;
	p0 =	seq.s32 s7, s2  }
0x1e: {  	s7 =	smul.u32 @!p0 $0xF7A, s2;
	p2 =	seq.s32 @!p0 s5, $0x0  }
0x1f: {  	s9 =	smul.u32 $0xF7A, s1;
	s8 =	simm.s32 @!p0 $0x1BF5;
	p2 =	por !p2, p0  }
0x20: {  	[sflag:s8] =	ssyncset.s32 @!p0 $0xFFFFF086;
	s6 =	sadd.s32 @!p0 s3, s7;
	s7 =	simm.s32 @!p0 $0x108  }
0x21: {  	s3 =	sadd.s32 s3, s9;
	s6 =	sadd.s32 @!p0 $0x88, s6;
	s7 =	simm.s32 @p2 $0x1082  }
0x22: {  	[simem:s7], [sflag:s8] =	dma.local @!p0 [hbm:s6], $0xF7A  }
0x23: {  	s9 =	sor.u32 $0xD0000000, s2;
	s6 =	simm.s32 $0x108;
	_ =	swait.ge @!p0 [sflag:s8], $0x0  }
0x24: {  	s3 =	sadd.s32 $0x88, s3;
	s6 =	simm.s32 @!p1 $0x1082;
	[sflag:s4] =	ssyncset.s32 $0xFFFFF086  }
0x25: {  	[simem:s6], [sflag:s4] =	dma.local [hbm:s3], $0xF7A  }
0x26: {  	[smem:$0x3F93] =	sst s1;
	(tag) =	ssettag s2;
	_ =	strace s9  }
0x27: {  	s1 =	sld [smem:$0x3FA3]  }
0x28: {  	s2 =	sld [smem:$0x3FA4]  }
0x29: {  	s4 =	sld [smem:$0x3FA6]  }
0x2a: {  	p0 =	seq.s32 s5, $0x0;
	s5 =	sld [smem:$0x3FA7]  }
0x2b: {  	s6 =	sld [smem:$0x3FA8]  }
0x2c: {  	s7 =	sld [smem:$0x3FA9]  }
0x2d: {  	s3 =	simm.s32 $0x108;
	s8 =	sld [smem:$0x3FAA]  }
0x2e: {  	s3 =	simm.s32 @!p0 $0x1082;
	s9 =	sld [smem:$0x3FAB]  }
0x2f: {  	lr =	sadd.s32 s0, s3;
	s0 =	sld [smem:$0x3FA2]  }
0x30: {  	s3 =	sld [smem:$0x3FA5]  }
0x31: {  	[smem:$0x3FAE] =	sst s10  }
0x32: {  	s10 =	sld [smem:$0x3FAC];
	_ =	sdelay $0x3  }
0x33: {  	p0 =	seq.s32 s10, $0x1;
	s10 =	sld [smem:$0x3FAE];
	_ =	sdelay $0x3  }
0x34: {  	[smem:$0x3FAE] =	sst s10  }
0x35: {  	s10 =	sld [smem:$0x3FAD];
	_ =	sdelay $0x3  }
0x36: {  	p1 =	seq.s32 s10, $0x1;
	s10 =	sld [smem:$0x3FAE];
	_ =	sdelay $0x3  }
0x37: {  	[smem:$0x3FAE] =	sst s10  }
0x38: {  	s10 =	sld [smem:$0x3FAF]  }
0x39: {  	_ = 	snop;
	(pc) =	sbr.ind lr, $3  }
0x3a: {  	_ = 	snop  }
0x3b: {  	_ = 	snop  }
0x3c: {  	p2 =	seq.s32 s10, $0x1;
	s10 =	sld [smem:$0x3FAE]  }
0x3d: {  	_ =	shalt  }
0x3e: {  	_ =	shalt  }
0x3f: {  	_ =	shalt  }
0x40: {  	_ =	shalt  }
0x41: {  	_ =	shalt  }
0x42: {  	_ =	shalt  }
0x43: {  	_ =	shalt  }
0x44: {  	_ =	shalt  }
0x45: {  	_ =	shalt  }
0x46: {  	_ =	shalt  }
0x47: {  	_ =	shalt  }
0x48: {  	_ =	shalt  }
0x49: {  	_ =	shalt  }
0x4a: {  	_ =	shalt  }
0x4b: {  	_ =	shalt  }
0x4c: {  	_ =	shalt  }
0x4d: {  	_ =	shalt  }
0x4e: {  	_ =	shalt  }
0x4f: {  	_ =	shalt  }
0x50: {  	_ =	shalt  }
0x51: {  	_ =	shalt  }
0x52: {  	_ =	shalt  }
0x53: {  	_ =	shalt  }
0x54: {  	_ =	shalt  }
0x55: {  	_ =	shalt  }
0x56: {  	_ =	shalt  }
0x57: {  	_ =	shalt  }
0x58: {  	_ =	shalt  }
0x59: {  	_ =	shalt  }
0x5a: {  	_ =	shalt  }
0x5b: {  	_ =	shalt  }
0x5c: {  	_ =	shalt  }
0x5d: {  	_ =	shalt  }
0x5e: {  	_ =	shalt  }
0x5f: {  	_ =	shalt  }
0x60: {  	_ =	shalt  }
0x61: {  	_ =	shalt  }
0x62: {  	_ =	shalt  }
0x63: {  	_ =	shalt  }
0x64: {  	_ =	shalt  }
0x65: {  	_ =	shalt  }
0x66: {  	_ =	shalt  }
0x67: {  	_ =	shalt  }
0x68: {  	_ =	shalt  }
0x69: {  	_ =	shalt  }
0x6a: {  	_ =	shalt  }
0x6b: {  	_ =	shalt  }
0x6c: {  	_ =	shalt  }
0x6d: {  	_ =	shalt  }
0x6e: {  	_ =	shalt  }
0x6f: {  	_ =	shalt  }
0x70: {  	_ =	shalt  }
0x71: {  	_ =	shalt  }
0x72: {  	_ =	shalt  }
0x73: {  	_ =	shalt  }
0x74: {  	_ =	shalt  }
0x75: {  	_ =	shalt  }
0x76: {  	_ =	shalt  }
0x77: {  	_ =	shalt  }
0x78: {  	_ =	shalt  }
0x79: {  	_ =	shalt  }
0x7a: {  	_ =	shalt  }
0x7b: {  	_ =	shalt  }
0x7c: {  	_ =	shalt  }
0x7d: {  	_ =	shalt  }
0x7e: {  	_ =	shalt  }
0x7f: {  	_ =	shalt  }
0x80: {  	_ =	shalt  }
0x81: {  	_ =	shalt  }
0x82: {  	_ =	shalt  }
0x83: {  	_ =	shalt  }
0x84: {  	_ =	shalt  }
0x85: {  	_ =	shalt  }
0x86: {  	_ =	shalt  }
0x87: {  	_ =	shalt  }
.Lfunc_end0:
.L_simem_size_0:
called_computation.1_lowered:
.L_overlay_start_0:
0x88: {  	s2 =	sld [smem:$0x3FD9]  }
0x89: {  	s3 =	sld [smem:$0x3FFE];
	_ =	sdelay $0x1  }
0x8a: {  	s1 =	srdreg.scid  }
0x8b: {  	s0 =	sand.u32 $0x1, s1  }
0x8c: {  	s17 =	sshll.u32 s0, $0xA;
	s2 =	sadd.s32 s3, s2  }
0x8d: {  	s2 =	sadd.s32 s2, s17  }
0x8e: {  	[smem:$0x3FBA] =	sst s2  }
0x8f: {  	_ = 	snop  }
0x90: {  	s18 =	sld [smem:$0x3FD0];
	(tm) =	ssettm $0x1  }
0x91: {  	s19 =	sld [smem:$0x3FFB];
	_ =	sdelay $0x3  }
0x92: {  	_ =	strace s19  }
0x93: {  	s2 =	sld [smem:$0x3FFC];
	_ =	sdelay $0x3  }
0x94: {  	_ =	strace s2  }
0x95: {  	s2 =	sld [smem:$0x3FFD];
	_ =	sdelay $0x3  }
0x96: {  	_ =	strace s2  }
0x97: {  	_ =	strace $0x8FFFFFFF  }
0x98: {  	s20 =	sld [smem:$0x3FDB];
	_ =	sdelay $0x1  }
0x99: {  	s4 =	simm.s32 $_scs_section_size  }
0x9a: {  	s5 =	simm.s32 $_size__tile_overlayer_lowered;
	s6 =	simm.s32 $_tile_overlayer_lowered  }
0x9b: {  	s7 =	simm.s32 $0x1BFF;
	s21 =	sshll.u32 s6, $0x1;
	s4 =	sadd.s32 s4, s20  }
0x9c: {  	s22 =	simm.s32 $0x0;
	s5 =	sshll.u32 s5, $0x1;
	s6 =	sadd.s32 s21, s4  }
0x9d: {  	[timem:s22], [sflag:s7] =	dma.local [hbm:s6], s5  }
0x9e: {  	_ =	swait.ge [sflag:s7], s5  }
0x9f: {  	s5 =	ssub.s32 $0x0, s5;
	[sflag:s7] =	ssyncset.done $0x0  }
0xa0: {  	[sflag:s7] =	ssyncadd.s32 s5;
	_ =	sdelay $0x1  }
0xa1: {  	s23 =	simm.s32 $0x1B8B  }
0xa2: {  	_ =	swait.ge [sflag:s23], $0x1  }
0xa3: {  	[sflag:s23] =	ssyncset.done $0x0  }
0xa4: {  	[sflag:s23] =	ssyncadd.s32 $0xFFFFFFFF  }
0xa5: {  	s5 =	sld [smem:$0x0]  }
0xa6: {  	s6 =	sand.u32 $0xFFFFFFFE, s1  }
0xa7: {  	p0 =	sne.s32 s1, s6  }
0xa8: {  	s6 =	sshll.u32 @p0 s6, $0xE  }
0xa9: {  	s6 =	sadd.s32 @p0 $0x11B8D, s6;
	s7 =	sshll.u32 @p0 s5, $0x11  }
0xaa: {  	s6 =	sor.u32 @p0 s7, s6  }
0xab: {  	[sflag:s6] =	ssyncadd.remote.s32 @p0 $0x1;
	_ =	sdelay $0x1  }
0xac: {  	s6 =	simm.s32 @p0 $0x1B8D  }
0xad: {  	_ =	swait.eq @p0 [sflag:s6], $0x1  }
0xae: {  	[sflag:s6] =	ssyncadd.s32 @p0 $0xFFFFFFFF  }
0xaf: {  	s7 =	sshll.u32 @!p0 s1, $0xE  }
0xb0: {  	s7 =	sor.u32 @!p0 $0x4000, s7;
	s6 =	simm.s32 @!p0 $0x1B8D  }
0xb1: {  	s5 =	sshll.u32 @!p0 s5, $0x11;
	s7 =	sadd.s32 @!p0 $0x11B8D, s7;
	_ =	swait.eq @!p0 [sflag:s6], $0x1  }
0xb2: {  	s5 =	sor.u32 @!p0 s5, s7;
	[sflag:s6] =	ssyncadd.s32 @!p0 $0xFFFFFFFF  }
0xb3: {  	s25 =	simm.s32 $0x1B8E;
	s24 =	sld [smem:$0x3FFE];
	[sflag:s5] =	ssyncadd.remote.s32 @!p0 $0x1  }
0xb4: {  	s26 =	simm.s32 $execute0_lowered;
	[smem:$0x3FD2] =	sst s25  }
0xb5: {  	s6 =	sshll.u32 s26, $0x1;
	_ =	strace $0x80000049;
	[dreg:$0x1] =	wrdreg $0xFFFFFFFF  }
0xb6: {  	s28 =	simm.s32 $_size_execute0_lowered;
	s4 =	sadd.s32 s4, s6;
	[dreg:$0x0] =	wrdreg $0x0  }
0xb7: {  	s6 =	sshll.u32 s28, $0x1;
	[dreg:$0x2] =	wrdreg s4  }
0xb8: {  	[dreg:$0x3] =	wrdreg s6  }
0xb9: {  	[dreg:$0x4] =	wrdreg $0xC0  }
0xba: {  	_ =	task [dreg:s22], $0x5FFFF  }
0xbb: {  	[dreg:$0x1] =	wrdreg $0xFFFFFFFF  }
0xbc: {  	[dreg:$0x0] =	wrdreg $0x60  }
0xbd: {  	[dreg:$0x2] =	wrdreg s24  }
0xbe: {  	[dreg:$0x3] =	wrdreg s18  }
0xbf: {  	[dreg:$0x4] =	wrdreg $0xA  }
0xc0: {  	_ =	task.clear_ibuf [dreg:s22], $0x5FFFF;
	_ =	strace $0x90000049  }
0xc1: {  	s29 =	simm.s32 $0xA;
	_ =	strace $0x8000004B  }
0xc2: {  	_ =	swait.ge [sflag:s29], $0x1  }
0xc3: {  	[sflag:s29] =	ssyncadd.s32 $0xFFFFFFFF  }
0xc4: {  	_ =	strace $0x9000004B  }
0xc5: {  	_ =	sfence  }
0xc6: {  	s30 =	sld [smem:$0x0];
	_ =	sdelay $0x2  }
0xc7: {  	s31 =	sshll.u32 s1, $0xD;
	s1 =	sshrl.u32 s1, $0x2  }
0xc8: {  	s4 =	sand.u32 $0x4000, s31;
	s1 =	sadd.s32 s1, s30  }
0xc9: {  	s0 =	sor.u32 s4, s0;
	s1 =	sshll.u32 s1, $0x11  }
0xca: {  	s0 =	sor.u32 s1, s0  }
0xcb: {  	s0 =	sadd.s32 $0x8F2B, s0  }
0xcc: {  	[sflag:s0] =	ssyncadd.remote.s32 $0x1  }
0xcd: {  	_ =	sfence.sel $0xFFFF  }
0xce: {  	[dreg:$0x0] =	wrdreg $0xFFFFFFFF;
	(pc) =	sbr.abs _section_cstart, $3  }
0xcf: {  	[dreg:$0x1] =	wrdreg $0xFFFFFFFF  }
0xd0: {  	_ =	task.clear_ibuf [dreg:s22], $0x2FFFF;
	_ =	strace $0x9FFFFFFF  }
0xd1: {  	(tm) =	ssettm $0x7FFFFFFF  }
tec
execute0_lowered:
.L_overlay_start_1:
0x0: {  	(tag) =	ssettag $0x1  }
0x1: {  	s1 =	srdreg.scid;
	s3 =	rddreg [dreg:$0x0]  }
0x2: {  	s0 =	stileid.u32;
	s5 =	rddreg [dreg:$0x1];
	s2 =	simm.s32 $0x0  }
0x3: {  	s14 =	sand.u32 $0x1, s1;
	s31 =	sshll.u32 s0, $0x1;
	s1 =	rddreg [dreg:$0x2]  }
0x4: {  	[smem:$0x7FF] =	sst s2;
	s4 =	sor.u32 s14, s31  }
0x5: {  	s3 =	sadd.s32 $0x33800, s3;
	_ =	strace $0x8000004A;
	s4 =	smul.u32 $0x1F0, s4  }
0x6: {  	[tilespmem:s2], [sflag:$0x2] =	stream.linear.gather [hbm4b:s3+s2], $0xC000, $0x38;
	[tilespmem:$0xC000] =	vst v63  }
0x7: {  	s4 =	sshrl.u32 s4, $0x3  }
0x8: {  	s6 =	smul.u32 $0x300, s4;
	s4 =	simm.s32 $0x2  }
0x9: {  	_ =	swait.ge [sflag:s4], $0xC000  }
0xa: {  	s12 =	sadd.s32 s5, s6;
	[sflag:s4] =	ssyncset.done $0x0  }
0xb: {  	s5 =	sadd.s32 $0xC000, s12;
	[sflag:s4] =	ssyncadd.s32 $0xFFFF4000  }
0xc: {  	[hbm4b:s5+s2] =	stream.linear.scatter [tilespmem:s2], [sflag:$0x1], $0xC000, $0x38;
	[tilespmem:$0xC000] =	vst v63  }
0xd: {  	s6 =	sadd.s32 $0xD800, s12  }
0xe: {  	[hbm4b:s6+s2] =	stream.linear.scatter [tilespmem:s2], [sflag:$0x1], $0xC000, $0x38;
	[tilespmem:$0xC000] =	vst v63  }
0xf: {  	s7 =	sadd.s32 $0xF000, s12  }
0x10: {  	[hbm4b:s7+s2] =	stream.linear.scatter [tilespmem:s2], [sflag:$0x1], $0xC000, $0x38;
	[tilespmem:$0xC000] =	vst v63  }
0x11: {  	s8 =	sadd.s32 $0x10800, s12  }
0x12: {  	[hbm4b:s8+s2] =	stream.linear.scatter [tilespmem:s2], [sflag:$0x1], $0xC000, $0x38;
	[tilespmem:$0xC000] =	vst v63  }
0x13: {  	s9 =	sadd.s32 $0x12000, s12  }
0x14: {  	[hbm4b:s9+s2] =	stream.linear.scatter [tilespmem:s2], [sflag:$0x1], $0xC000, $0x38;
	[tilespmem:$0xC000] =	vst v63  }
0x15: {  	s10 =	sadd.s32 $0x13800, s12  }
0x16: {  	[hbm4b:s10+s2] =	stream.linear.scatter [tilespmem:s2], [sflag:$0x1], $0xC000, $0x38;
	[tilespmem:$0xC000] =	vst v63  }
0x17: {  	s11 =	sadd.s32 $0x15000, s12  }
0x18: {  	[hbm4b:s11+s2] =	stream.linear.scatter [tilespmem:s2], [sflag:$0x1], $0xC000, $0x38;
	[tilespmem:$0xC000] =	vst v63  }
0x19: {  	s13 =	sadd.s32 $0x16800, s12;
	s12 =	simm.s32 $0x1  }
0x1a: {  	[hbm4b:s13+s2] =	stream.linear.scatter [tilespmem:s2], [sflag:$0x1], $0x9000, $0x38;
	[tilespmem:$0xC000] =	vst v63  }
0x1b: {  	_ =	swait.ge [sflag:s12], $0xC000  }
0x1c: {  	[sflag:s12] =	ssyncset.done $0x0  }
0x1d: {  	[sflag:s12] =	ssyncadd.s32 $0xFFFF4000  }
0x1e: {  	_ =	swait.ge [sflag:s12], $0xC000  }
0x1f: {  	[sflag:s12] =	ssyncset.done $0x0  }
0x20: {  	[sflag:s12] =	ssyncadd.s32 $0xFFFF4000  }
0x21: {  	_ =	swait.ge [sflag:s12], $0xC000  }
0x22: {  	[sflag:s12] =	ssyncset.done $0x0  }
0x23: {  	[sflag:s12] =	ssyncadd.s32 $0xFFFF4000  }
0x24: {  	_ =	swait.ge [sflag:s12], $0xC000  }
0x25: {  	[sflag:s12] =	ssyncset.done $0x0  }
0x26: {  	[sflag:s12] =	ssyncadd.s32 $0xFFFF4000  }
0x27: {  	_ =	swait.ge [sflag:s12], $0xC000  }
0x28: {  	s14 =	ssub.s32 $0x2, s14;
	[sflag:s12] =	ssyncset.done $0x0  }
0x29: {  	s15 =	sshrl.u32 s14, $0x1;
	[sflag:s12] =	ssyncadd.s32 $0xFFFF4000  }
0x2a: {  	s14 =	ssub.s32 s14, s15;
	_ =	swait.ge [sflag:s12], $0xC000  }
0x2b: {  	s14 =	smax.u32 s14, $0x1;
	[sflag:s12] =	ssyncset.done $0x0  }
0x2c: {  	p0 =	sne.s32 s14, $0x1;
	[sflag:s12] =	ssyncadd.s32 $0xFFFF4000  }
.Ltmp0:
0x2d: {  	_ =	swait.ge [sflag:s12], $0xC000;
	(pc) =	sbr.rel @!p0 .LBB2_2-.Ltmp0, $4  }
0x2e: {  	[sflag:s12] =	ssyncset.done $0x0  }
0x2f: {  	[sflag:s12] =	ssyncadd.s32 $0xFFFF4000  }
0x30: {  	_ =	swait.ge [sflag:s12], $0x9000  }
0x31: {  	s14 =	sadd.s32 $0xFFFFFFFF, s14;
	[sflag:s12] =	ssyncset.done $0x0  }
.LBB2_1:
0x32: {  	p0 =	sne.s32 s14, $0x1;
	s14 =	sadd.s32 $0xFFFFFFFF, s14;
	[sflag:s12] =	ssyncadd.s32 $0xFFFF7000  }
0x33: {  	[tilespmem:s2], [sflag:$0x2] =	stream.linear.gather [hbm4b:s3+s2], $0xC000, $0x38;
	[tilespmem:$0xC000] =	vst v63  }
0x34: {  	_ =	swait.ge [sflag:s4], $0xC000  }
0x35: {  	[sflag:s4] =	ssyncset.done $0x0  }
0x36: {  	[sflag:s4] =	ssyncadd.s32 $0xFFFF4000  }
0x37: {  	[hbm4b:s5+s2] =	stream.linear.scatter [tilespmem:s2], [sflag:$0x1], $0xC000, $0x38;
	[tilespmem:$0xC000] =	vst v63  }
0x38: {  	_ = 	snop  }
0x39: {  	[hbm4b:s6+s2] =	stream.linear.scatter [tilespmem:s2], [sflag:$0x1], $0xC000, $0x38;
	[tilespmem:$0xC000] =	vst v63  }
0x3a: {  	_ = 	snop  }
0x3b: {  	[hbm4b:s7+s2] =	stream.linear.scatter [tilespmem:s2], [sflag:$0x1], $0xC000, $0x38;
	[tilespmem:$0xC000] =	vst v63  }
0x3c: {  	_ = 	snop  }
0x3d: {  	[hbm4b:s8+s2] =	stream.linear.scatter [tilespmem:s2], [sflag:$0x1], $0xC000, $0x38;
	[tilespmem:$0xC000] =	vst v63  }
0x3e: {  	_ = 	snop  }
0x3f: {  	[hbm4b:s9+s2] =	stream.linear.scatter [tilespmem:s2], [sflag:$0x1], $0xC000, $0x38;
	[tilespmem:$0xC000] =	vst v63  }
0x40: {  	_ = 	snop  }
0x41: {  	[hbm4b:s10+s2] =	stream.linear.scatter [tilespmem:s2], [sflag:$0x1], $0xC000, $0x38;
	[tilespmem:$0xC000] =	vst v63  }
0x42: {  	_ = 	snop  }
0x43: {  	[hbm4b:s11+s2] =	stream.linear.scatter [tilespmem:s2], [sflag:$0x1], $0xC000, $0x38;
	[tilespmem:$0xC000] =	vst v63  }
0x44: {  	_ = 	snop  }
0x45: {  	[hbm4b:s13+s2] =	stream.linear.scatter [tilespmem:s2], [sflag:$0x1], $0x9000, $0x38;
	[tilespmem:$0xC000] =	vst v63  }
0x46: {  	_ =	swait.ge [sflag:s12], $0xC000  }
0x47: {  	[sflag:s12] =	ssyncset.done $0x0  }
0x48: {  	[sflag:s12] =	ssyncadd.s32 $0xFFFF4000  }
0x49: {  	_ =	swait.ge [sflag:s12], $0xC000  }
0x4a: {  	[sflag:s12] =	ssyncset.done $0x0  }
0x4b: {  	[sflag:s12] =	ssyncadd.s32 $0xFFFF4000  }
0x4c: {  	_ =	swait.ge [sflag:s12], $0xC000  }
0x4d: {  	[sflag:s12] =	ssyncset.done $0x0  }
0x4e: {  	[sflag:s12] =	ssyncadd.s32 $0xFFFF4000  }
0x4f: {  	_ =	swait.ge [sflag:s12], $0xC000  }
0x50: {  	[sflag:s12] =	ssyncset.done $0x0  }
0x51: {  	[sflag:s12] =	ssyncadd.s32 $0xFFFF4000  }
0x52: {  	_ =	swait.ge [sflag:s12], $0xC000  }
0x53: {  	[sflag:s12] =	ssyncset.done $0x0  }
0x54: {  	[sflag:s12] =	ssyncadd.s32 $0xFFFF4000  }
0x55: {  	_ =	swait.ge [sflag:s12], $0xC000  }
0x56: {  	[sflag:s12] =	ssyncset.done $0x0  }
0x57: {  	[sflag:s12] =	ssyncadd.s32 $0xFFFF4000  }
.Ltmp1:
0x58: {  	_ =	swait.ge [sflag:s12], $0xC000;
	(pc) =	sbr.rel @p0 .LBB2_1-.Ltmp1, $4  }
0x59: {  	[sflag:s12] =	ssyncset.done $0x0  }
0x5a: {  	[sflag:s12] =	ssyncadd.s32 $0xFFFF4000  }
0x5b: {  	_ =	swait.ge [sflag:s12], $0x9000  }
0x5c: {  	[sflag:s12] =	ssyncset.done $0x0  }
.LBB2_2:
0x5d: {  	[sflag:s12] =	ssyncadd.s32 $0xFFFF7000  }
0x5e: {  	_ =	sfence.sel $0x180000  }
0x5f: {  	[bflag:$0x0] =	sbarrier.arrive $0xFFFF  }
0x60: {  	p0 =	sne.s32 s0, $0x0;
	_ =	strace $0x9000004A  }
0x61: {  	s0 =	sadd.s32 @!p0 $0x100000, s1;
	[bflag:$0x2] =	sbarrier.arrive $0xFFFF  }
0x62: {  	[sflag:s0] =	ssyncadd.tile.s32 @!p0 $0x1;
	_ =	shalt  }
.Lfunc_end2:
_tile_overlayer_lowered:
.L_overlay_start_2:
0x63: {  	(tag) =	ssettag $0x2  }
0x64: {  	s0 =	rddreg [dreg:$0x0];
	s2 =	stileid.u32  }
0x65: {  	s1 =	rddreg [dreg:$0x1];
	p0 =	sne.s32 s2, $0x0  }
0x66: {  	s3 =	rddreg [dreg:$0x2];
	[bflag:$0x3] =	sbarrier.arrive $0xFFFF;
	s2 =	simm.s32 @!p0 $0x1C02  }
0x67: {  	[timem:s3], [sflag:s2] =	dma.local @!p0 [hbm:s0], s1  }
0x68: {  	s0 =	simm.s32 @!p0 $0x2  }
0x69: {  	_ =	swait.ge @!p0 [sflag:s0], s1  }
0x6a: {  	s1 =	ssub.s32 @!p0 $0x0, s1;
	[sflag:s0] =	ssyncset.done @!p0 $0x0  }
0x6b: {  	[sflag:s0] =	ssyncadd.s32 @!p0 s1  }
0x6c: {  	[bflag:$0x3] =	sbarrier.arrive $0xFFFF  }
0x6d: {  	_ =	shalt  }

// kernel: kernel.13.cloned.1.call-start
scs
__scs_entry_jumppad:
0x0: {  	(pc) =	sbr.rel $0x88, $3  }
0x1: {  	(tag) =	ssettag $0x0;
	lr =	simm.s32 $0x1  }
0x2: {  	[smem:$0x3F93] =	sst lr;
	_ =	strace $0xD0000000  }
0x3: {  	_ = 	snop  }
0x4: {  	_ = 	snop  }
0x5: {  	_ = 	snop  }
0x6: {  	_ = 	snop  }
0x7: {  	_ = 	snop  }
__scs_overlays_trampoline_lowered:
0x8: {  	[smem:$0x3FA2] =	sst s0  }
0x9: {  	[smem:$0x3FA3] =	sst s1  }
0xa: {  	[smem:$0x3FA4] =	sst s2  }
0xb: {  	[smem:$0x3FA5] =	sst s3  }
0xc: {  	[smem:$0x3FA6] =	sst s4  }
0xd: {  	[smem:$0x3FA7] =	sst s5  }
0xe: {  	[smem:$0x3FA8] =	sst s6  }
0xf: {  	[smem:$0x3FA9] =	sst s7  }
0x10: {  	[smem:$0x3FAA] =	sst s8  }
0x11: {  	[smem:$0x3FAB] =	sst s9;
	s0 =	simm.s32 @!p0 $0x0  }
0x12: {  	s1 =	sld [smem:$0x3F91];
	s0 =	simm.s32 @p0 $0x1  }
0x13: {  	[smem:$0x3FAC] =	sst s0;
	s0 =	simm.s32 @!p1 $0x0  }
0x14: {  	s2 =	sld [smem:$0x3F90];
	s0 =	simm.s32 @p1 $0x1  }
0x15: {  	[smem:$0x3FAD] =	sst s0;
	s0 =	simm.s32 @!p2 $0x0  }
0x16: {  	s3 =	sld [smem:$0x3FDB];
	s0 =	simm.s32 @p2 $0x1  }
0x17: {  	s4 =	simm.s32 $0x1BF5;
	[smem:$0x3FAF] =	sst s0  }
0x18: {  	s0 =	sld [smem:$0x3F92];
	_ =	swait.ge [sflag:s4], $0x0  }
0x19: {  	s7 =	sld [smem:$0x3F93]  }
0x1a: {  	s8 =	sadd.s32 $0xFFFFE003, lr  }
0x1b: {  	s9 =	sadd.s32 $0xFFFFFEF7, lr;
	s5 =	simm.s32 $0xFFFFFFFF;
	p2 =	slt.u32 s8, $0xFFFFF086  }
0x1c: {  	p1 =	slt.u32 s9, $0xF7A;
	s5 =	simm.s32 @!p2 $0x0  }
0x1d: {  	s5 =	simm.s32 @p1 $0x1;
	p0 =	seq.s32 s7, s2  }
0x1e: {  	s7 =	smul.u32 @!p0 $0xF7A, s2;
	p2 =	seq.s32 @!p0 s5, $0x0  }
0x1f: {  	s9 =	smul.u32 $0xF7A, s1;
	s8 =	simm.s32 @!p0 $0x1BF5;
	p2 =	por !p2, p0  }
0x20: {  	[sflag:s8] =	ssyncset.s32 @!p0 $0xFFFFF086;
	s6 =	sadd.s32 @!p0 s3, s7;
	s7 =	simm.s32 @!p0 $0x108  }
0x21: {  	s3 =	sadd.s32 s3, s9;
	s6 =	sadd.s32 @!p0 $0x88, s6;
	s7 =	simm.s32 @p2 $0x1082  }
0x22: {  	[simem:s7], [sflag:s8] =	dma.local @!p0 [hbm:s6], $0xF7A  }
0x23: {  	s9 =	sor.u32 $0xD0000000, s2;
	s6 =	simm.s32 $0x108;
	_ =	swait.ge @!p0 [sflag:s8], $0x0  }
0x24: {  	s3 =	sadd.s32 $0x88, s3;
	s6 =	simm.s32 @!p1 $0x1082;
	[sflag:s4] =	ssyncset.s32 $0xFFFFF086  }
0x25: {  	[simem:s6], [sflag:s4] =	dma.local [hbm:s3], $0xF7A  }
0x26: {  	[smem:$0x3F93] =	sst s1;
	(tag) =	ssettag s2;
	_ =	strace s9  }
0x27: {  	s1 =	sld [smem:$0x3FA3]  }
0x28: {  	s2 =	sld [smem:$0x3FA4]  }
0x29: {  	s4 =	sld [smem:$0x3FA6]  }
0x2a: {  	p0 =	seq.s32 s5, $0x0;
	s5 =	sld [smem:$0x3FA7]  }
0x2b: {  	s6 =	sld [smem:$0x3FA8]  }
0x2c: {  	s7 =	sld [smem:$0x3FA9]  }
0x2d: {  	s3 =	simm.s32 $0x108;
	s8 =	sld [smem:$0x3FAA]  }
0x2e: {  	s3 =	simm.s32 @!p0 $0x1082;
	s9 =	sld [smem:$0x3FAB]  }
0x2f: {  	lr =	sadd.s32 s0, s3;
	s0 =	sld [smem:$0x3FA2]  }
0x30: {  	s3 =	sld [smem:$0x3FA5]  }
0x31: {  	[smem:$0x3FAE] =	sst s10  }
0x32: {  	s10 =	sld [smem:$0x3FAC];
	_ =	sdelay $0x3  }
0x33: {  	p0 =	seq.s32 s10, $0x1;
	s10 =	sld [smem:$0x3FAE];
	_ =	sdelay $0x3  }
0x34: {  	[smem:$0x3FAE] =	sst s10  }
0x35: {  	s10 =	sld [smem:$0x3FAD];
	_ =	sdelay $0x3  }
0x36: {  	p1 =	seq.s32 s10, $0x1;
	s10 =	sld [smem:$0x3FAE];
	_ =	sdelay $0x3  }
0x37: {  	[smem:$0x3FAE] =	sst s10  }
0x38: {  	s10 =	sld [smem:$0x3FAF]  }
0x39: {  	_ = 	snop;
	(pc) =	sbr.ind lr, $3  }
0x3a: {  	_ = 	snop  }
0x3b: {  	_ = 	snop  }
0x3c: {  	p2 =	seq.s32 s10, $0x1;
	s10 =	sld [smem:$0x3FAE]  }
0x3d: {  	_ =	shalt  }
0x3e: {  	_ =	shalt  }
0x3f: {  	_ =	shalt  }
0x40: {  	_ =	shalt  }
0x41: {  	_ =	shalt  }
0x42: {  	_ =	shalt  }
0x43: {  	_ =	shalt  }
0x44: {  	_ =	shalt  }
0x45: {  	_ =	shalt  }
0x46: {  	_ =	shalt  }
0x47: {  	_ =	shalt  }
0x48: {  	_ =	shalt  }
0x49: {  	_ =	shalt  }
0x4a: {  	_ =	shalt  }
0x4b: {  	_ =	shalt  }
0x4c: {  	_ =	shalt  }
0x4d: {  	_ =	shalt  }
0x4e: {  	_ =	shalt  }
0x4f: {  	_ =	shalt  }
0x50: {  	_ =	shalt  }
0x51: {  	_ =	shalt  }
0x52: {  	_ =	shalt  }
0x53: {  	_ =	shalt  }
0x54: {  	_ =	shalt  }
0x55: {  	_ =	shalt  }
0x56: {  	_ =	shalt  }
0x57: {  	_ =	shalt  }
0x58: {  	_ =	shalt  }
0x59: {  	_ =	shalt  }
0x5a: {  	_ =	shalt  }
0x5b: {  	_ =	shalt  }
0x5c: {  	_ =	shalt  }
0x5d: {  	_ =	shalt  }
0x5e: {  	_ =	shalt  }
0x5f: {  	_ =	shalt  }
0x60: {  	_ =	shalt  }
0x61: {  	_ =	shalt  }
0x62: {  	_ =	shalt  }
0x63: {  	_ =	shalt  }
0x64: {  	_ =	shalt  }
0x65: {  	_ =	shalt  }
0x66: {  	_ =	shalt  }
0x67: {  	_ =	shalt  }
0x68: {  	_ =	shalt  }
0x69: {  	_ =	shalt  }
0x6a: {  	_ =	shalt  }
0x6b: {  	_ =	shalt  }
0x6c: {  	_ =	shalt  }
0x6d: {  	_ =	shalt  }
0x6e: {  	_ =	shalt  }
0x6f: {  	_ =	shalt  }
0x70: {  	_ =	shalt  }
0x71: {  	_ =	shalt  }
0x72: {  	_ =	shalt  }
0x73: {  	_ =	shalt  }
0x74: {  	_ =	shalt  }
0x75: {  	_ =	shalt  }
0x76: {  	_ =	shalt  }
0x77: {  	_ =	shalt  }
0x78: {  	_ =	shalt  }
0x79: {  	_ =	shalt  }
0x7a: {  	_ =	shalt  }
0x7b: {  	_ =	shalt  }
0x7c: {  	_ =	shalt  }
0x7d: {  	_ =	shalt  }
0x7e: {  	_ =	shalt  }
0x7f: {  	_ =	shalt  }
0x80: {  	_ =	shalt  }
0x81: {  	_ =	shalt  }
0x82: {  	_ =	shalt  }
0x83: {  	_ =	shalt  }
0x84: {  	_ =	shalt  }
0x85: {  	_ =	shalt  }
0x86: {  	_ =	shalt  }
0x87: {  	_ =	shalt  }
.Lfunc_end0:
.L_simem_size_0:
called_computation.2_lowered:
.L_overlay_start_0:
0x88: {  	s2 =	sld [smem:$0x3FD9]  }
0x89: {  	s3 =	sld [smem:$0x3FFE];
	_ =	sdelay $0x1  }
0x8a: {  	s1 =	srdreg.scid  }
0x8b: {  	s0 =	sand.u32 $0x1, s1  }
0x8c: {  	s17 =	sshll.u32 s0, $0xA;
	s2 =	sadd.s32 s3, s2  }
0x8d: {  	s2 =	sadd.s32 s2, s17  }
0x8e: {  	[smem:$0x3FBA] =	sst s2  }
0x8f: {  	_ = 	snop  }
0x90: {  	s2 =	sld [smem:$0x3FD0];
	(tm) =	ssettm $0x1  }
0x91: {  	s18 =	sld [smem:$0x3FFB];
	_ =	sdelay $0x3  }
0x92: {  	_ =	strace s18  }
0x93: {  	s3 =	sld [smem:$0x3FFC];
	_ =	sdelay $0x3  }
0x94: {  	_ =	strace s3  }
0x95: {  	s3 =	sld [smem:$0x3FFD];
	_ =	sdelay $0x3  }
0x96: {  	_ =	strace s3  }
0x97: {  	_ =	strace $0x8FFFFFFF  }
0x98: {  	s19 =	sld [smem:$0x3FDB];
	_ =	sdelay $0x1  }
0x99: {  	s4 =	simm.s32 $_scs_section_size  }
0x9a: {  	s5 =	simm.s32 $_size__tile_overlayer_lowered;
	s6 =	simm.s32 $_tile_overlayer_lowered  }
0x9b: {  	s22 =	simm.s32 $0x1BFF;
	s21 =	sshll.u32 s6, $0x1;
	s3 =	sadd.s32 s4, s19  }
0x9c: {  	s7 =	simm.s32 $0x0;
	s20 =	sshll.u32 s5, $0x1;
	s5 =	sadd.s32 s21, s3  }
0x9d: {  	[timem:s7], [sflag:s22] =	dma.local [hbm:s5], s20  }
0x9e: {  	_ =	swait.ge [sflag:s22], s20  }
0x9f: {  	s4 =	ssub.s32 $0x0, s20;
	[sflag:s22] =	ssyncset.done $0x0  }
0xa0: {  	[sflag:s22] =	ssyncadd.s32 s4;
	_ =	sdelay $0x1  }
0xa1: {  	s23 =	simm.s32 $0x1B8B  }
0xa2: {  	_ =	swait.ge [sflag:s23], $0x1  }
0xa3: {  	[sflag:s23] =	ssyncset.done $0x0  }
0xa4: {  	s25 =	simm.s32 $0x1B8E;
	s24 =	sld [smem:$0x3FFE];
	[sflag:s23] =	ssyncadd.s32 $0xFFFFFFFF  }
0xa5: {  	s26 =	simm.s32 $execute0_lowered;
	[smem:$0x3FD2] =	sst s25  }
0xa6: {  	s5 =	sshll.u32 s26, $0x1;
	_ =	strace $0x8000004C;
	[dreg:$0x1] =	wrdreg $0xFFFFFFFF  }
0xa7: {  	s28 =	simm.s32 $_size_execute0_lowered;
	s3 =	sadd.s32 s3, s5;
	[dreg:$0x0] =	wrdreg $0x0  }
0xa8: {  	s5 =	sshll.u32 s28, $0x1;
	[dreg:$0x2] =	wrdreg s3  }
0xa9: {  	[dreg:$0x3] =	wrdreg s5  }
0xaa: {  	[dreg:$0x4] =	wrdreg $0xC0  }
0xab: {  	_ =	task [dreg:s7], $0x5FFFF  }
0xac: {  	[dreg:$0x1] =	wrdreg $0xFFFFFFFF  }
0xad: {  	[dreg:$0x0] =	wrdreg $0x60  }
0xae: {  	[dreg:$0x2] =	wrdreg s24  }
0xaf: {  	[dreg:$0x3] =	wrdreg s2  }
0xb0: {  	[dreg:$0x4] =	wrdreg $0x9  }
0xb1: {  	_ =	task.clear_ibuf [dreg:s7], $0x5FFFF;
	_ =	strace $0x9000004C  }
0xb2: {  	s29 =	simm.s32 $0x9;
	_ =	strace $0x8000004E  }
0xb3: {  	_ =	swait.ge [sflag:s29], $0x1  }
0xb4: {  	[sflag:s29] =	ssyncadd.s32 $0xFFFFFFFF  }
0xb5: {  	_ =	strace $0x9000004E  }
0xb6: {  	_ =	sfence  }
0xb7: {  	s30 =	sld [smem:$0x0];
	_ =	sdelay $0x2  }
0xb8: {  	s31 =	sshll.u32 s1, $0xD;
	s1 =	sshrl.u32 s1, $0x2  }
0xb9: {  	s3 =	sand.u32 $0x4000, s31;
	s1 =	sadd.s32 s1, s30  }
0xba: {  	s0 =	sor.u32 s3, s0;
	s1 =	sshll.u32 s1, $0x11  }
0xbb: {  	s0 =	sor.u32 s1, s0  }
0xbc: {  	s0 =	sadd.s32 $0x8F2B, s0  }
0xbd: {  	[sflag:s0] =	ssyncadd.remote.s32 $0x1  }
0xbe: {  	_ =	sfence.sel $0xFFFF  }
0xbf: {  	[dreg:$0x0] =	wrdreg $0xFFFFFFFF;
	(pc) =	sbr.abs _section_cstart, $3  }
0xc0: {  	[dreg:$0x1] =	wrdreg $0xFFFFFFFF  }
0xc1: {  	_ =	task.clear_ibuf [dreg:s7], $0x2FFFF;
	_ =	strace $0x9FFFFFFF  }
0xc2: {  	(tm) =	ssettm $0x7FFFFFFF  }
0xc3: {  	_ =	shalt  }
tec
execute0_lowered:
.L_overlay_start_1:
0x0: {  	(tag) =	ssettag $0x1  }
0x1: {  	s8 =	rddreg [dreg:$0x0]  }
0x2: {  	s2 =	rddreg [dreg:$0x1];
	s3 =	srdreg.scid  }
0x3: {  	s0 =	rddreg [dreg:$0x2];
	s1 =	stileid.u32;
	s12 =	simm.s32 $0x2  }
0x4: {  	s13 =	simm.s32 $0x80;
	s14 =	simm.s32 $0x100;
	s15 =	simm.s32 $0x900  }
0x5: {  	s16 =	simm.s32 $0x1100;
	s17 =	simm.s32 $0x1900;
	s18 =	simm.s32 $0x2100  }
0x6: {  	s19 =	simm.s32 $0x2900;
	s20 =	simm.s32 $0x3100;
	s21 =	simm.s32 $0x3900  }
0x7: {  	s22 =	simm.s32 $0x4100;
	s23 =	simm.s32 $0x4900;
	s24 =	simm.s32 $0x5100  }
0x8: {  	s25 =	simm.s32 $0x5900;
	s26 =	simm.s32 $0x1;
	s4 =	sand.u32 $0x1, s3  }
0x9: {  	s3 =	simm.s32 $0x0;
	s5 =	sshll.u32 s1, $0x3;
	s9 =	sadd.s32 $0x100, s2  }
0xa: {  	s10 =	sadd.s32 $0x200, s2;
	s6 =	sshll.u32 s4, $0x2;
	[smem:$0x7FF] =	sst s3  }
0xb: {  	s30 =	ssub.s32 $0x2, s4;
	s4 =	sadd.s32 $0x3600, s8;
	s5 =	sor.u32 s6, s5  }
0xc: {  	v2 =	vlaneseq.u32;
	_ =	strace $0x8000004D;
	s31 =	sshrl.u32 s30, $0x1;
	s7 =	sadd.s32 s5, s8  }
0xd: {  	vm0 =	vmmov $0xffff;
	v1 =	vshrl.u32 v2, $0x3;
	s11 =	ssub.s32 s30, s31;
	s5 =	sadd.s32 $0x1B800, s7;
	s6 =	sadd.s32 $0x1B600, s7  }
0xe: {  	v0 =	vand.u32 $0x7, v2;
	v2 =	vor.u32 $0x8, v2;
	v1 =	vmul.u32 $0x8, v1;
	s7 =	sadd.s32 $0x3700, s8;
	s8 =	sadd.s32 $0x3800, s8;
	s11 =	smax.u32 s11, $0x1  }
.LBB2_1:
0xf: {  	[tilespmem:s3], [sflag:$0x2] =	stream.linear.gather [hbm4b:s5+s3], $0x20, $0x38;
	[tilespmem:$0x6100] =	vst v63  }
0x10: {  	_ =	swait.ge [sflag:s12], $0x20  }
0x11: {  	[sflag:s12] =	ssyncset.done $0x0  }
0x12: {  	[sflag:s12] =	ssyncadd.s32 $0xFFFFFFE0  }
0x13: {  	[tilespmem:s13], [sflag:$0x2] =	stream.linear.gather [hbm4b:s6+s3], $0x20, $0x38;
	[tilespmem:$0x6100] =	vst v63  }
0x14: {  	_ =	swait.ge [sflag:s12], $0x20  }
0x15: {  	[sflag:s12] =	ssyncset.done $0x0  }
0x16: {  	[sflag:s12] =	ssyncadd.s32 $0xFFFFFFE0  }
0x17: {  	v3 =	vld [tilespmem:$0x0];
	_ =	sdelay $0x4  }
0x18: {  	v4 =	vshrl.u32 v3, $0x3  }
0x19: {  	v4 =	vmul.u32 $0x30, v4  }
0x1a: {  	v3 =	vand.u32 $0x7, v3  }
0x1b: {  	v3 =	vor.u32 v3, v4  }
0x1c: {  	v4 =	vperm.xlane v3, v0;
	_ =	sdelay $0x1  }
0x1d: {  	v4 =	vadd.s32 v1, v4;
	_ =	sdelay $0x3  }
0x1e: {  	v3 =	vperm.xlane v3, v2  }
0x1f: {  	[tilespmem:s14], [sflag:$0x1] =	stream.indirect_vreg.gather [hbm4b:s4+s3], $0x80, v4, vm0, $0xb8;
	[tilespmem:$0x6100] =	vst v63  }
0x20: {  	v3 =	vadd.s32 v1, v3  }
0x21: {  	[tilespmem:s15], [sflag:$0x1] =	stream.indirect_vreg.gather [hbm4b:s7+s3], $0x80, v4, vm0, $0xb8;
	[tilespmem:$0x6100] =	vst v63  }
0x22: {  	_ = 	snop  }
0x23: {  	[tilespmem:s16], [sflag:$0x1] =	stream.indirect_vreg.gather [hbm4b:s8+s3], $0x80, v4, vm0, $0xb8;
	[tilespmem:$0x6100] =	vst v63  }
0x24: {  	_ = 	snop  }
0x25: {  	[tilespmem:s17], [sflag:$0x1] =	stream.indirect_vreg.gather [hbm4b:s4+s3], $0x80, v3, vm0, $0xb8;
	[tilespmem:$0x6100] =	vst v63  }
0x26: {  	_ = 	snop  }
0x27: {  	[tilespmem:s18], [sflag:$0x1] =	stream.indirect_vreg.gather [hbm4b:s7+s3], $0x80, v3, vm0, $0xb8;
	[tilespmem:$0x6100] =	vst v63  }
0x28: {  	_ = 	snop  }
0x29: {  	[tilespmem:s19], [sflag:$0x1] =	stream.indirect_vreg.gather [hbm4b:s8+s3], $0x80, v3, vm0, $0xb8;
	[tilespmem:$0x6100] =	vst v63  }
0x2a: {  	v3 =	vld [tilespmem:$0x10];
	_ =	sdelay $0x4  }
0x2b: {  	v61 =	vshrl.u32 v3, $0x3  }
0x2c: {  	v4 =	vmul.u32 $0x30, v61  }
0x2d: {  	v3 =	vand.u32 $0x7, v3  }
0x2e: {  	v3 =	vor.u32 v3, v4  }
0x2f: {  	v4 =	vperm.xlane v3, v0;
	_ =	sdelay $0x1  }
0x30: {  	v4 =	vadd.s32 v1, v4;
	_ =	sdelay $0x3  }
0x31: {  	v3 =	vperm.xlane v3, v2  }
0x32: {  	[tilespmem:s20], [sflag:$0x1] =	stream.indirect_vreg.gather [hbm4b:s4+s3], $0x80, v4, vm0, $0xb8;
	[tilespmem:$0x6100] =	vst v63  }
0x33: {  	v3 =	vadd.s32 v1, v3  }
0x34: {  	[tilespmem:s21], [sflag:$0x1] =	stream.indirect_vreg.gather [hbm4b:s7+s3], $0x80, v4, vm0, $0xb8;
	[tilespmem:$0x6100] =	vst v63  }
0x35: {  	_ = 	snop  }
0x36: {  	[tilespmem:s22], [sflag:$0x1] =	stream.indirect_vreg.gather [hbm4b:s8+s3], $0x80, v4, vm0, $0xb8;
	[tilespmem:$0x6100] =	vst v63  }
0x37: {  	_ = 	snop  }
0x38: {  	[tilespmem:s23], [sflag:$0x1] =	stream.indirect_vreg.gather [hbm4b:s4+s3], $0x80, v3, vm0, $0xb8;
	[tilespmem:$0x6100] =	vst v63  }
0x39: {  	_ = 	snop  }
0x3a: {  	[tilespmem:s24], [sflag:$0x1] =	stream.indirect_vreg.gather [hbm4b:s7+s3], $0x80, v3, vm0, $0xb8;
	[tilespmem:$0x6100] =	vst v63  }
0x3b: {  	_ = 	snop  }
0x3c: {  	[tilespmem:s25], [sflag:$0x1] =	stream.indirect_vreg.gather [hbm4b:s8+s3], $0x80, v3, vm0, $0xb8;
	[tilespmem:$0x6100] =	vst v63  }
0x3d: {  	_ =	swait.ge [sflag:s26], $0x6000  }
0x3e: {  	[sflag:s26] =	ssyncset.done $0x0  }
0x3f: {  	[sflag:s26] =	ssyncadd.s32 $0xFFFFA000  }
0x40: {  	v3 =	vld [tilespmem:$0x80];
	_ =	sdelay $0x4  }
0x41: {  	v62 =	vshrl.u32 v3, $0x3  }
0x42: {  	v4 =	vmul.u32 $0x30, v62  }
0x43: {  	v3 =	vand.u32 $0x7, v3  }
0x44: {  	v3 =	vor.u32 v3, v4  }
0x45: {  	v4 =	vperm.xlane v3, v0;
	_ =	sdelay $0x1  }
0x46: {  	v4 =	vadd.s32 v1, v4;
	_ =	sdelay $0x3  }
0x47: {  	v3 =	vperm.xlane v3, v2  }
0x48: {  	[hbm4b:s2+s3] =	stream.indirect_vreg.scatter [tilespmem:s14], [sflag:$0x1], $0x80, v4, vm0, $0xb8;
	[tilespmem:$0x6100] =	vst v63  }
0x49: {  	v3 =	vadd.s32 v1, v3  }
0x4a: {  	[hbm4b:s9+s3] =	stream.indirect_vreg.scatter [tilespmem:s15], [sflag:$0x1], $0x80, v4, vm0, $0xb8;
	[tilespmem:$0x6100] =	vst v63  }
0x4b: {  	_ = 	snop  }
0x4c: {  	[hbm4b:s10+s3] =	stream.indirect_vreg.scatter [tilespmem:s16], [sflag:$0x1], $0x80, v4, vm0, $0xb8;
	[tilespmem:$0x6100] =	vst v63  }
0x4d: {  	_ = 	snop  }
0x4e: {  	[hbm4b:s2+s3] =	stream.indirect_vreg.scatter [tilespmem:s17], [sflag:$0x1], $0x80, v3, vm0, $0xb8;
	[tilespmem:$0x6100] =	vst v63  }
0x4f: {  	_ = 	snop  }
0x50: {  	[hbm4b:s9+s3] =	stream.indirect_vreg.scatter [tilespmem:s18], [sflag:$0x1], $0x80, v3, vm0, $0xb8;
	[tilespmem:$0x6100] =	vst v63  }
0x51: {  	_ = 	snop  }
0x52: {  	[hbm4b:s10+s3] =	stream.indirect_vreg.scatter [tilespmem:s19], [sflag:$0x1], $0x80, v3, vm0, $0xb8;
	[tilespmem:$0x6100] =	vst v63  }
0x53: {  	v3 =	vld [tilespmem:$0x90];
	_ =	sdelay $0x4  }
0x54: {  	v63 =	vshrl.u32 v3, $0x3  }
0x55: {  	v4 =	vmul.u32 $0x30, v63  }
0x56: {  	v3 =	vand.u32 $0x7, v3  }
0x57: {  	v3 =	vor.u32 v3, v4  }
0x58: {  	v4 =	vperm.xlane v3, v0;
	_ =	sdelay $0x1  }
0x59: {  	v4 =	vadd.s32 v1, v4;
	_ =	sdelay $0x3  }
0x5a: {  	v3 =	vperm.xlane v3, v2  }
0x5b: {  	[hbm4b:s2+s3] =	stream.indirect_vreg.scatter [tilespmem:s20], [sflag:$0x1], $0x80, v4, vm0, $0xb8;
	[tilespmem:$0x6100] =	vst v63  }
0x5c: {  	v3 =	vadd.s32 v1, v3  }
0x5d: {  	[hbm4b:s9+s3] =	stream.indirect_vreg.scatter [tilespmem:s21], [sflag:$0x1], $0x80, v4, vm0, $0xb8;
	[tilespmem:$0x6100] =	vst v63  }
0x5e: {  	_ = 	snop  }
0x5f: {  	[hbm4b:s10+s3] =	stream.indirect_vreg.scatter [tilespmem:s22], [sflag:$0x1], $0x80, v4, vm0, $0xb8;
	[tilespmem:$0x6100] =	vst v63  }
0x60: {  	_ = 	snop  }
0x61: {  	[hbm4b:s2+s3] =	stream.indirect_vreg.scatter [tilespmem:s23], [sflag:$0x1], $0x80, v3, vm0, $0xb8;
	[tilespmem:$0x6100] =	vst v63  }
0x62: {  	p0 =	sne.s32 s11, $0x1  }
0x63: {  	[hbm4b:s9+s3] =	stream.indirect_vreg.scatter [tilespmem:s24], [sflag:$0x1], $0x80, v3, vm0, $0xb8;
	[tilespmem:$0x6100] =	vst v63  }
.Ltmp0:
0x64: {  	_ = 	snop;
	(pc) =	sbr.rel @p0 .LBB2_1-.Ltmp0, $4  }
0x65: {  	[hbm4b:s10+s3] =	stream.indirect_vreg.scatter [tilespmem:s25], [sflag:$0x1], $0x80, v3, vm0, $0xb8;
	[tilespmem:$0x6100] =	vst v63  }
0x66: {  	_ =	swait.ge [sflag:s26], $0x6000  }
0x67: {  	[sflag:s26] =	ssyncset.done $0x0  }
0x68: {  	s11 =	sadd.s32 $0xFFFFFFFF, s11;
	[sflag:s26] =	ssyncadd.s32 $0xFFFFA000  }
0x69: {  	_ =	sfence.sel $0x180000  }
0x6a: {  	[bflag:$0x0] =	sbarrier.arrive $0xFFFF  }
0x6b: {  	p0 =	sne.s32 s1, $0x0;
	_ =	strace $0x9000004D  }
0x6c: {  	s0 =	sadd.s32 @!p0 $0x100000, s0;
	[bflag:$0x2] =	sbarrier.arrive $0xFFFF  }
0x6d: {  	[sflag:s0] =	ssyncadd.tile.s32 @!p0 $0x1;
	_ =	shalt  }
.Lfunc_end2:
_tile_overlayer_lowered:
.L_overlay_start_2:
0x6e: {  	(tag) =	ssettag $0x2  }
0x6f: {  	s0 =	rddreg [dreg:$0x0];
	s2 =	stileid.u32  }
0x70: {  	s1 =	rddreg [dreg:$0x1];
	p0 =	sne.s32 s2, $0x0  }
0x71: {  	s3 =	rddreg [dreg:$0x2];
	[bflag:$0x3] =	sbarrier.arrive $0xFFFF;
	s2 =	simm.s32 @!p0 $0x1C02  }
0x72: {  	[timem:s3], [sflag:s2] =	dma.local @!p0 [hbm:s0], s1  }
0x73: {  	s0 =	simm.s32 @!p0 $0x2  }
0x74: {  	_ =	swait.ge @!p0 [sflag:s0], s1  }
0x75: {  	s1 =	ssub.s32 @!p0 $0x0, s1;
	[sflag:s0] =	ssyncset.done @!p0 $0x0  }
0x76: {  	[sflag:s0] =	ssyncadd.s32 @!p0 s1  }
0x77: {  	[bflag:$0x3] =	sbarrier.arrive $0xFFFF  }
0x78: {  	_ =	shalt  }

// kernel: kernel.7.cloned.1.call-start
scs
__scs_entry_jumppad:
0x0: {  	(pc) =	sbr.rel $0x88, $3  }
0x1: {  	(tag) =	ssettag $0x0;
	lr =	simm.s32 $0x1  }
0x2: {  	[smem:$0x3F93] =	sst lr;
	_ =	strace $0xD0000000  }
0x3: {  	_ = 	snop  }
0x4: {  	_ = 	snop  }
0x5: {  	_ = 	snop  }
0x6: {  	_ = 	snop  }
0x7: {  	_ = 	snop  }
__scs_overlays_trampoline_lowered:
0x8: {  	[smem:$0x3FA2] =	sst s0  }
0x9: {  	[smem:$0x3FA3] =	sst s1  }
0xa: {  	[smem:$0x3FA4] =	sst s2  }
0xb: {  	[smem:$0x3FA5] =	sst s3  }
0xc: {  	[smem:$0x3FA6] =	sst s4  }
0xd: {  	[smem:$0x3FA7] =	sst s5  }
0xe: {  	[smem:$0x3FA8] =	sst s6  }
0xf: {  	[smem:$0x3FA9] =	sst s7  }
0x10: {  	[smem:$0x3FAA] =	sst s8  }
0x11: {  	[smem:$0x3FAB] =	sst s9;
	s0 =	simm.s32 @!p0 $0x0  }
0x12: {  	s1 =	sld [smem:$0x3F91];
	s0 =	simm.s32 @p0 $0x1  }
0x13: {  	[smem:$0x3FAC] =	sst s0;
	s0 =	simm.s32 @!p1 $0x0  }
0x14: {  	s2 =	sld [smem:$0x3F90];
	s0 =	simm.s32 @p1 $0x1  }
0x15: {  	[smem:$0x3FAD] =	sst s0;
	s0 =	simm.s32 @!p2 $0x0  }
0x16: {  	s3 =	sld [smem:$0x3FDB];
	s0 =	simm.s32 @p2 $0x1  }
0x17: {  	s4 =	simm.s32 $0x1BF5;
	[smem:$0x3FAF] =	sst s0  }
0x18: {  	s0 =	sld [smem:$0x3F92];
	_ =	swait.ge [sflag:s4], $0x0  }
0x19: {  	s7 =	sld [smem:$0x3F93]  }
0x1a: {  	s8 =	sadd.s32 $0xFFFFE003, lr  }
0x1b: {  	s9 =	sadd.s32 $0xFFFFFEF7, lr;
	s5 =	simm.s32 $0xFFFFFFFF;
	p2 =	slt.u32 s8, $0xFFFFF086  }
0x1c: {  	p1 =	slt.u32 s9, $0xF7A;
	s5 =	simm.s32 @!p2 $0x0  }
0x1d: {  	s5 =	simm.s32 @p1 $0x1;
	p0 =	seq.s32 s7, s2  }
0x1e: {  	s7 =	smul.u32 @!p0 $0xF7A, s2;
	p2 =	seq.s32 @!p0 s5, $0x0  }
0x1f: {  	s9 =	smul.u32 $0xF7A, s1;
	s8 =	simm.s32 @!p0 $0x1BF5;
	p2 =	por !p2, p0  }
0x20: {  	[sflag:s8] =	ssyncset.s32 @!p0 $0xFFFFF086;
	s6 =	sadd.s32 @!p0 s3, s7;
	s7 =	simm.s32 @!p0 $0x108  }
0x21: {  	s3 =	sadd.s32 s3, s9;
	s6 =	sadd.s32 @!p0 $0x88, s6;
	s7 =	simm.s32 @p2 $0x1082  }
0x22: {  	[simem:s7], [sflag:s8] =	dma.local @!p0 [hbm:s6], $0xF7A  }
0x23: {  	s9 =	sor.u32 $0xD0000000, s2;
	s6 =	simm.s32 $0x108;
	_ =	swait.ge @!p0 [sflag:s8], $0x0  }
0x24: {  	s3 =	sadd.s32 $0x88, s3;
	s6 =	simm.s32 @!p1 $0x1082;
	[sflag:s4] =	ssyncset.s32 $0xFFFFF086  }
0x25: {  	[simem:s6], [sflag:s4] =	dma.local [hbm:s3], $0xF7A  }
0x26: {  	[smem:$0x3F93] =	sst s1;
	(tag) =	ssettag s2;
	_ =	strace s9  }
0x27: {  	s1 =	sld [smem:$0x3FA3]  }
0x28: {  	s2 =	sld [smem:$0x3FA4]  }
0x29: {  	s4 =	sld [smem:$0x3FA6]  }
0x2a: {  	p0 =	seq.s32 s5, $0x0;
	s5 =	sld [smem:$0x3FA7]  }
0x2b: {  	s6 =	sld [smem:$0x3FA8]  }
0x2c: {  	s7 =	sld [smem:$0x3FA9]  }
0x2d: {  	s3 =	simm.s32 $0x108;
	s8 =	sld [smem:$0x3FAA]  }
0x2e: {  	s3 =	simm.s32 @!p0 $0x1082;
	s9 =	sld [smem:$0x3FAB]  }
0x2f: {  	lr =	sadd.s32 s0, s3;
	s0 =	sld [smem:$0x3FA2]  }
0x30: {  	s3 =	sld [smem:$0x3FA5]  }
0x31: {  	[smem:$0x3FAE] =	sst s10  }
0x32: {  	s10 =	sld [smem:$0x3FAC];
	_ =	sdelay $0x3  }
0x33: {  	p0 =	seq.s32 s10, $0x1;
	s10 =	sld [smem:$0x3FAE];
	_ =	sdelay $0x3  }
0x34: {  	[smem:$0x3FAE] =	sst s10  }
0x35: {  	s10 =	sld [smem:$0x3FAD];
	_ =	sdelay $0x3  }
0x36: {  	p1 =	seq.s32 s10, $0x1;
	s10 =	sld [smem:$0x3FAE];
	_ =	sdelay $0x3  }
0x37: {  	[smem:$0x3FAE] =	sst s10  }
0x38: {  	s10 =	sld [smem:$0x3FAF]  }
0x39: {  	_ = 	snop;
	(pc) =	sbr.ind lr, $3  }
0x3a: {  	_ = 	snop  }
0x3b: {  	_ = 	snop  }
0x3c: {  	p2 =	seq.s32 s10, $0x1;
	s10 =	sld [smem:$0x3FAE]  }
0x3d: {  	_ =	shalt  }
0x3e: {  	_ =	shalt  }
0x3f: {  	_ =	shalt  }
0x40: {  	_ =	shalt  }
0x41: {  	_ =	shalt  }
0x42: {  	_ =	shalt  }
0x43: {  	_ =	shalt  }
0x44: {  	_ =	shalt  }
0x45: {  	_ =	shalt  }
0x46: {  	_ =	shalt  }
0x47: {  	_ =	shalt  }
0x48: {  	_ =	shalt  }
0x49: {  	_ =	shalt  }
0x4a: {  	_ =	shalt  }
0x4b: {  	_ =	shalt  }
0x4c: {  	_ =	shalt  }
0x4d: {  	_ =	shalt  }
0x4e: {  	_ =	shalt  }
0x4f: {  	_ =	shalt  }
0x50: {  	_ =	shalt  }
0x51: {  	_ =	shalt  }
0x52: {  	_ =	shalt  }
0x53: {  	_ =	shalt  }
0x54: {  	_ =	shalt  }
0x55: {  	_ =	shalt  }
0x56: {  	_ =	shalt  }
0x57: {  	_ =	shalt  }
0x58: {  	_ =	shalt  }
0x59: {  	_ =	shalt  }
0x5a: {  	_ =	shalt  }
0x5b: {  	_ =	shalt  }
0x5c: {  	_ =	shalt  }
0x5d: {  	_ =	shalt  }
0x5e: {  	_ =	shalt  }
0x5f: {  	_ =	shalt  }
0x60: {  	_ =	shalt  }
0x61: {  	_ =	shalt  }
0x62: {  	_ =	shalt  }
0x63: {  	_ =	shalt  }
0x64: {  	_ =	shalt  }
0x65: {  	_ =	shalt  }
0x66: {  	_ =	shalt  }
0x67: {  	_ =	shalt  }
0x68: {  	_ =	shalt  }
0x69: {  	_ =	shalt  }
0x6a: {  	_ =	shalt  }
0x6b: {  	_ =	shalt  }
0x6c: {  	_ =	shalt  }
0x6d: {  	_ =	shalt  }
0x6e: {  	_ =	shalt  }
0x6f: {  	_ =	shalt  }
0x70: {  	_ =	shalt  }
0x71: {  	_ =	shalt  }
0x72: {  	_ =	shalt  }
0x73: {  	_ =	shalt  }
0x74: {  	_ =	shalt  }
0x75: {  	_ =	shalt  }
0x76: {  	_ =	shalt  }
0x77: {  	_ =	shalt  }
0x78: {  	_ =	shalt  }
0x79: {  	_ =	shalt  }
0x7a: {  	_ =	shalt  }
0x7b: {  	_ =	shalt  }
0x7c: {  	_ =	shalt  }
0x7d: {  	_ =	shalt  }
0x7e: {  	_ =	shalt  }
0x7f: {  	_ =	shalt  }
0x80: {  	_ =	shalt  }
0x81: {  	_ =	shalt  }
0x82: {  	_ =	shalt  }
0x83: {  	_ =	shalt  }
0x84: {  	_ =	shalt  }
0x85: {  	_ =	shalt  }
0x86: {  	_ =	shalt  }
0x87: {  	_ =	shalt  }
.Lfunc_end0:
.L_simem_size_0:
called_computation_lowered:
.L_overlay_start_0:
0x88: {  	s2 =	sld [smem:$0x3FD9]  }
0x89: {  	s3 =	sld [smem:$0x3FFE];
	_ =	sdelay $0x1  }
0x8a: {  	s1 =	srdreg.scid  }
0x8b: {  	s0 =	sand.u32 $0x1, s1  }
0x8c: {  	s17 =	sshll.u32 s0, $0xA;
	s2 =	sadd.s32 s3, s2  }
0x8d: {  	s2 =	sadd.s32 s2, s17  }
0x8e: {  	[smem:$0x3FBA] =	sst s2  }
0x8f: {  	_ = 	snop  }
0x90: {  	s2 =	sld [smem:$0x3FC9];
	(tm) =	ssettm $0x1  }
0x91: {  	s18 =	sld [smem:$0x3FFB];
	_ =	sdelay $0x3  }
0x92: {  	_ =	strace s18  }
0x93: {  	s3 =	sld [smem:$0x3FFC];
	_ =	sdelay $0x3  }
0x94: {  	_ =	strace s3  }
0x95: {  	s3 =	sld [smem:$0x3FFD];
	_ =	sdelay $0x3  }
0x96: {  	_ =	strace s3  }
0x97: {  	_ =	strace $0x8FFFFFFF  }
0x98: {  	s19 =	sld [smem:$0x3FDB];
	_ =	sdelay $0x1  }
0x99: {  	s4 =	simm.s32 $_scs_section_size  }
0x9a: {  	s5 =	simm.s32 $_size__tile_overlayer_lowered;
	s6 =	simm.s32 $_tile_overlayer_lowered  }
0x9b: {  	s22 =	simm.s32 $0x1BFF;
	s21 =	sshll.u32 s6, $0x1;
	s3 =	sadd.s32 s4, s19  }
0x9c: {  	s7 =	simm.s32 $0x0;
	s20 =	sshll.u32 s5, $0x1;
	s5 =	sadd.s32 s21, s3  }
0x9d: {  	[timem:s7], [sflag:s22] =	dma.local [hbm:s5], s20  }
0x9e: {  	_ =	swait.ge [sflag:s22], s20  }
0x9f: {  	s4 =	ssub.s32 $0x0, s20;
	[sflag:s22] =	ssyncset.done $0x0  }
0xa0: {  	[sflag:s22] =	ssyncadd.s32 s4;
	_ =	sdelay $0x1  }
0xa1: {  	s23 =	simm.s32 $0x1B8B  }
0xa2: {  	_ =	swait.ge [sflag:s23], $0x1  }
0xa3: {  	[sflag:s23] =	ssyncset.done $0x0  }
0xa4: {  	s25 =	simm.s32 $0x1B8E;
	s24 =	sld [smem:$0x3FFE];
	[sflag:s23] =	ssyncadd.s32 $0xFFFFFFFF  }
0xa5: {  	s26 =	simm.s32 $execute0_lowered;
	[smem:$0x3FD2] =	sst s25  }
0xa6: {  	s5 =	sshll.u32 s26, $0x1;
	_ =	strace $0x80000046;
	[dreg:$0x1] =	wrdreg $0xFFFFFFFF  }
0xa7: {  	s28 =	simm.s32 $_size_execute0_lowered;
	s3 =	sadd.s32 s3, s5;
	[dreg:$0x0] =	wrdreg $0x0  }
0xa8: {  	s5 =	sshll.u32 s28, $0x1;
	[dreg:$0x2] =	wrdreg s3  }
0xa9: {  	[dreg:$0x3] =	wrdreg s5  }
0xaa: {  	[dreg:$0x4] =	wrdreg $0xC0  }
0xab: {  	_ =	task [dreg:s7], $0x5FFFF  }
0xac: {  	[dreg:$0x1] =	wrdreg $0xFFFFFFFF  }
0xad: {  	[dreg:$0x0] =	wrdreg $0x60  }
0xae: {  	[dreg:$0x2] =	wrdreg s2  }
0xaf: {  	[dreg:$0x3] =	wrdreg s24  }
0xb0: {  	[dreg:$0x4] =	wrdreg $0x9  }
0xb1: {  	_ =	task.clear_ibuf [dreg:s7], $0x5FFFF;
	_ =	strace $0x90000046  }
0xb2: {  	s29 =	simm.s32 $0x9;
	_ =	strace $0x80000048  }
0xb3: {  	_ =	swait.ge [sflag:s29], $0x1  }
0xb4: {  	[sflag:s29] =	ssyncadd.s32 $0xFFFFFFFF  }
0xb5: {  	_ =	strace $0x90000048  }
0xb6: {  	_ =	sfence  }
0xb7: {  	s30 =	sld [smem:$0x0];
	_ =	sdelay $0x2  }
0xb8: {  	s31 =	sshll.u32 s1, $0xD;
	s1 =	sshrl.u32 s1, $0x2  }
0xb9: {  	s3 =	sand.u32 $0x4000, s31;
	s1 =	sadd.s32 s1, s30  }
0xba: {  	s0 =	sor.u32 s3, s0;
	s1 =	sshll.u32 s1, $0x11  }
0xbb: {  	s0 =	sor.u32 s1, s0  }
0xbc: {  	s0 =	sadd.s32 $0x8F2B, s0  }
0xbd: {  	[sflag:s0] =	ssyncadd.remote.s32 $0x1  }
0xbe: {  	_ =	sfence.sel $0xFFFF  }
0xbf: {  	[dreg:$0x0] =	wrdreg $0xFFFFFFFF;
	(pc) =	sbr.abs _section_cstart, $3  }
0xc0: {  	[dreg:$0x1] =	wrdreg $0xFFFFFFFF  }
0xc1: {  	_ =	task.clear_ibuf [dreg:s7], $0x2FFFF;
	_ =	strace $0x9FFFFFFF  }
0xc2: {  	(tm) =	ssettm $0x7FFFFFFF  }
0xc3: {  	_ =	shalt  }
tec
execute0_lowered:
.L_overlay_start_1:
0x0: {  	(tag) =	ssettag $0x1  }
0x1: {  	s1 =	srdreg.scid  }
0x2: {  	s2 =	rddreg [dreg:$0x0];
	s0 =	stileid.u32  }
0x3: {  	s4 =	rddreg [dreg:$0x1];
	s3 =	simm.s32 $0x0;
	s8 =	simm.s32 $0x80  }
0x4: {  	s26 =	simm.s32 $0x880;
	s9 =	simm.s32 $0x1080;
	s10 =	simm.s32 $0x1880  }
0x5: {  	s11 =	simm.s32 $0x2080;
	s12 =	simm.s32 $0x2880;
	s13 =	simm.s32 $0x3080  }
0x6: {  	s14 =	simm.s32 $0x3880;
	s15 =	simm.s32 $0x4080;
	s16 =	simm.s32 $0x4880  }
0x7: {  	s17 =	simm.s32 $0x5080;
	s18 =	simm.s32 $0x5880;
	s19 =	simm.s32 $0x6080  }
0x8: {  	s20 =	simm.s32 $0x6880;
	s21 =	simm.s32 $0x7080;
	s22 =	simm.s32 $0x7880  }
0x9: {  	s23 =	simm.s32 $0x8080;
	s24 =	simm.s32 $0x8880;
	s28 =	simm.s32 $0xA080  }
0xa: {  	s29 =	simm.s32 $0xA880;
	s30 =	simm.s32 $0xB080;
	s31 =	simm.s32 $0xB880  }
0xb: {  	s1 =	sand.u32 $0x1, s1;
	s5 =	sshll.u32 s0, $0x4;
	[smem:$0x7FF] =	sst s3  }
0xc: {  	s6 =	sshll.u32 s1, $0x3;
	s1 =	ssub.s32 $0x2, s1;
	_ =	strace $0x80000047  }
0xd: {  	[dreg:$0x5] =	wrdreg s26;
	s26 =	simm.s32 $0x9880;
	s5 =	sor.u32 s6, s5  }
0xe: {  	s7 =	sshrl.u32 s1, $0x1;
	s6 =	smul.u32 $0x300, s5;
	s5 =	sadd.s32 s5, s4  }
0xf: {  	s1 =	ssub.s32 s1, s7;
	s7 =	simm.s32 $0x2;
	s25 =	sadd.s32 $0x3600, s5  }
0x10: {  	v2 =	vlaneseq.u32;
	s5 =	sadd.s32 $0x200, s2;
	s6 =	sadd.s32 s6, s4;
	[dreg:$0x3] =	wrdreg s25  }
0x11: {  	vm0 =	vmmov $0xffff;
	v1 =	vshrl.u32 v2, $0x3;
	s4 =	sadd.s32 $0x100, s2;
	s25 =	simm.s32 $0x9080;
	s6 =	sadd.s32 $0x3800, s6  }
0x12: {  	v0 =	vand.u32 $0x7, v2;
	v2 =	vor.u32 $0x8, v2;
	v1 =	vmul.u32 $0x8, v1;
	[dreg:$0x4] =	wrdreg s6;
	s6 =	smax.u32 s1, $0x1;
	s1 =	simm.s32 $0x1  }
.LBB2_1:
0x13: {  	s0 =	rddreg [dreg:$0x3]  }
0x14: {  	[tilespmem:s3], [sflag:$0x2] =	stream.linear.gather [hbm4b:s0+s3], $0x40, $0x38;
	[tilespmem:$0xC080] =	vst v63  }
0x15: {  	_ =	swait.ge [sflag:s7], $0x40  }
0x16: {  	[sflag:s7] =	ssyncset.done $0x0  }
0x17: {  	[sflag:s7] =	ssyncadd.s32 $0xFFFFFFC0  }
0x18: {  	v3 =	vld [tilespmem:$0x0];
	_ =	sdelay $0x4  }
0x19: {  	v4 =	vshrl.u32 v3, $0x3  }
0x1a: {  	v4 =	vmul.u32 $0x30, v4  }
0x1b: {  	v3 =	vand.u32 $0x7, v3  }
0x1c: {  	v3 =	vor.u32 v3, v4  }
0x1d: {  	v4 =	vperm.xlane v3, v0;
	_ =	sdelay $0x1  }
0x1e: {  	v4 =	vadd.s32 v1, v4;
	_ =	sdelay $0x3  }
0x1f: {  	v3 =	vperm.xlane v3, v2  }
0x20: {  	[tilespmem:s8], [sflag:$0x1] =	stream.indirect_vreg.gather [hbm4b:s2+s3], $0x80, v4, vm0, $0xb8;
	[tilespmem:$0xC080] =	vst v63  }
0x21: {  	s0 =	rddreg [dreg:$0x5];
	v3 =	vadd.s32 v1, v3  }
0x22: {  	[tilespmem:s0], [sflag:$0x1] =	stream.indirect_vreg.gather [hbm4b:s4+s3], $0x80, v4, vm0, $0xb8;
	[tilespmem:$0xC080] =	vst v63  }
0x23: {  	_ = 	snop  }
0x24: {  	[tilespmem:s9], [sflag:$0x1] =	stream.indirect_vreg.gather [hbm4b:s5+s3], $0x80, v4, vm0, $0xb8;
	[tilespmem:$0xC080] =	vst v63  }
0x25: {  	_ = 	snop  }
0x26: {  	[tilespmem:s10], [sflag:$0x1] =	stream.indirect_vreg.gather [hbm4b:s2+s3], $0x80, v3, vm0, $0xb8;
	[tilespmem:$0xC080] =	vst v63  }
0x27: {  	_ = 	snop  }
0x28: {  	[tilespmem:s11], [sflag:$0x1] =	stream.indirect_vreg.gather [hbm4b:s4+s3], $0x80, v3, vm0, $0xb8;
	[tilespmem:$0xC080] =	vst v63  }
0x29: {  	_ = 	snop  }
0x2a: {  	[tilespmem:s12], [sflag:$0x1] =	stream.indirect_vreg.gather [hbm4b:s5+s3], $0x80, v3, vm0, $0xb8;
	[tilespmem:$0xC080] =	vst v63  }
0x2b: {  	v3 =	vld [tilespmem:$0x10];
	_ =	sdelay $0x4  }
0x2c: {  	v61 =	vshrl.u32 v3, $0x3  }
0x2d: {  	v4 =	vmul.u32 $0x30, v61  }
0x2e: {  	v3 =	vand.u32 $0x7, v3  }
0x2f: {  	v3 =	vor.u32 v3, v4  }
0x30: {  	v4 =	vperm.xlane v3, v0;
	_ =	sdelay $0x1  }
0x31: {  	v4 =	vadd.s32 v1, v4;
	_ =	sdelay $0x3  }
0x32: {  	v3 =	vperm.xlane v3, v2  }
0x33: {  	[tilespmem:s13], [sflag:$0x1] =	stream.indirect_vreg.gather [hbm4b:s2+s3], $0x80, v4, vm0, $0xb8;
	[tilespmem:$0xC080] =	vst v63  }
0x34: {  	v3 =	vadd.s32 v1, v3  }
0x35: {  	[tilespmem:s14], [sflag:$0x1] =	stream.indirect_vreg.gather [hbm4b:s4+s3], $0x80, v4, vm0, $0xb8;
	[tilespmem:$0xC080] =	vst v63  }
0x36: {  	_ = 	snop  }
0x37: {  	[tilespmem:s15], [sflag:$0x1] =	stream.indirect_vreg.gather [hbm4b:s5+s3], $0x80, v4, vm0, $0xb8;
	[tilespmem:$0xC080] =	vst v63  }
0x38: {  	_ = 	snop  }
0x39: {  	[tilespmem:s16], [sflag:$0x1] =	stream.indirect_vreg.gather [hbm4b:s2+s3], $0x80, v3, vm0, $0xb8;
	[tilespmem:$0xC080] =	vst v63  }
0x3a: {  	_ = 	snop  }
0x3b: {  	[tilespmem:s17], [sflag:$0x1] =	stream.indirect_vreg.gather [hbm4b:s4+s3], $0x80, v3, vm0, $0xb8;
	[tilespmem:$0xC080] =	vst v63  }
0x3c: {  	_ = 	snop  }
0x3d: {  	[tilespmem:s18], [sflag:$0x1] =	stream.indirect_vreg.gather [hbm4b:s5+s3], $0x80, v3, vm0, $0xb8;
	[tilespmem:$0xC080] =	vst v63  }
0x3e: {  	v3 =	vld [tilespmem:$0x20];
	_ =	sdelay $0x4  }
0x3f: {  	v62 =	vshrl.u32 v3, $0x3  }
0x40: {  	v4 =	vmul.u32 $0x30, v62  }
0x41: {  	v3 =	vand.u32 $0x7, v3  }
0x42: {  	v3 =	vor.u32 v3, v4  }
0x43: {  	v4 =	vperm.xlane v3, v0;
	_ =	sdelay $0x1  }
0x44: {  	v4 =	vadd.s32 v1, v4;
	_ =	sdelay $0x3  }
0x45: {  	v3 =	vperm.xlane v3, v2  }
0x46: {  	[tilespmem:s19], [sflag:$0x1] =	stream.indirect_vreg.gather [hbm4b:s2+s3], $0x80, v4, vm0, $0xb8;
	[tilespmem:$0xC080] =	vst v63  }
0x47: {  	v3 =	vadd.s32 v1, v3  }
0x48: {  	[tilespmem:s20], [sflag:$0x1] =	stream.indirect_vreg.gather [hbm4b:s4+s3], $0x80, v4, vm0, $0xb8;
	[tilespmem:$0xC080] =	vst v63  }
0x49: {  	_ = 	snop  }
0x4a: {  	[tilespmem:s21], [sflag:$0x1] =	stream.indirect_vreg.gather [hbm4b:s5+s3], $0x80, v4, vm0, $0xb8;
	[tilespmem:$0xC080] =	vst v63  }
0x4b: {  	_ = 	snop  }
0x4c: {  	[tilespmem:s22], [sflag:$0x1] =	stream.indirect_vreg.gather [hbm4b:s2+s3], $0x80, v3, vm0, $0xb8;
	[tilespmem:$0xC080] =	vst v63  }
0x4d: {  	_ = 	snop  }
0x4e: {  	[tilespmem:s23], [sflag:$0x1] =	stream.indirect_vreg.gather [hbm4b:s4+s3], $0x80, v3, vm0, $0xb8;
	[tilespmem:$0xC080] =	vst v63  }
0x4f: {  	_ = 	snop  }
0x50: {  	[tilespmem:s24], [sflag:$0x1] =	stream.indirect_vreg.gather [hbm4b:s5+s3], $0x80, v3, vm0, $0xb8;
	[tilespmem:$0xC080] =	vst v63  }
0x51: {  	v3 =	vld [tilespmem:$0x30];
	_ =	sdelay $0x4  }
0x52: {  	v63 =	vshrl.u32 v3, $0x3  }
0x53: {  	v4 =	vmul.u32 $0x30, v63  }
0x54: {  	v3 =	vand.u32 $0x7, v3  }
0x55: {  	v3 =	vor.u32 v3, v4  }
0x56: {  	v4 =	vperm.xlane v3, v0;
	_ =	sdelay $0x1  }
0x57: {  	v4 =	vadd.s32 v1, v4;
	_ =	sdelay $0x3  }
0x58: {  	v3 =	vperm.xlane v3, v2  }
0x59: {  	[tilespmem:s25], [sflag:$0x1] =	stream.indirect_vreg.gather [hbm4b:s2+s3], $0x80, v4, vm0, $0xb8;
	[tilespmem:$0xC080] =	vst v63  }
0x5a: {  	v3 =	vadd.s32 v1, v3  }
0x5b: {  	[tilespmem:s26], [sflag:$0x1] =	stream.indirect_vreg.gather [hbm4b:s4+s3], $0x80, v4, vm0, $0xb8;
	[tilespmem:$0xC080] =	vst v63  }
0x5c: {  	_ = 	snop  }
0x5d: {  	[tilespmem:s28], [sflag:$0x1] =	stream.indirect_vreg.gather [hbm4b:s5+s3], $0x80, v4, vm0, $0xb8;
	[tilespmem:$0xC080] =	vst v63  }
0x5e: {  	_ = 	snop  }
0x5f: {  	[tilespmem:s29], [sflag:$0x1] =	stream.indirect_vreg.gather [hbm4b:s2+s3], $0x80, v3, vm0, $0xb8;
	[tilespmem:$0xC080] =	vst v63  }
0x60: {  	_ = 	snop  }
0x61: {  	[tilespmem:s30], [sflag:$0x1] =	stream.indirect_vreg.gather [hbm4b:s4+s3], $0x80, v3, vm0, $0xb8;
	[tilespmem:$0xC080] =	vst v63  }
0x62: {  	_ = 	snop  }
0x63: {  	[tilespmem:s31], [sflag:$0x1] =	stream.indirect_vreg.gather [hbm4b:s5+s3], $0x80, v3, vm0, $0xb8;
	[tilespmem:$0xC080] =	vst v63  }
0x64: {  	_ =	swait.ge [sflag:s1], $0xC000  }
0x65: {  	p0 =	sne.s32 s6, $0x1;
	[sflag:s1] =	ssyncset.done $0x0  }
.Ltmp0:
0x66: {  	s0 =	rddreg [dreg:$0x4];
	[sflag:s1] =	ssyncadd.s32 $0xFFFF4000;
	(pc) =	sbr.rel @p0 .LBB2_1-.Ltmp0, $4  }
0x67: {  	[hbm4b:s0+s3] =	stream.linear.scatter [tilespmem:s8], [sflag:$0x2], $0xC000, $0x38;
	[tilespmem:$0xC080] =	vst v63  }
0x68: {  	_ =	swait.ge [sflag:s7], $0xC000  }
0x69: {  	[sflag:s7] =	ssyncset.done $0x0  }
0x6a: {  	s6 =	sadd.s32 $0xFFFFFFFF, s6;
	[sflag:s7] =	ssyncadd.s32 $0xFFFF4000  }
0x6b: {  	_ =	sfence.sel $0x180000  }
0x6c: {  	[bflag:$0x0] =	sbarrier.arrive $0xFFFF  }
0x6d: {  	_ =	strace $0x90000047  }
0x6e: {  	s0 =	stileid.u32;
	[bflag:$0x2] =	sbarrier.arrive $0xFFFF  }
0x6f: {  	p0 =	sne.s32 s0, $0x0;
	s0 =	rddreg [dreg:$0x2]  }
0x70: {  	s0 =	sadd.s32 @!p0 $0x100000, s0  }
0x71: {  	[sflag:s0] =	ssyncadd.tile.s32 @!p0 $0x1;
	_ =	shalt  }
.Lfunc_end2:
_tile_overlayer_lowered:
.L_overlay_start_2:
0x72: {  	(tag) =	ssettag $0x2  }
0x73: {  	s0 =	rddreg [dreg:$0x0];
	s2 =	stileid.u32  }
0x74: {  	s1 =	rddreg [dreg:$0x1];
	p0 =	sne.s32 s2, $0x0  }
0x75: {  	s3 =	rddreg [dreg:$0x2];
	[bflag:$0x3] =	sbarrier.arrive $0xFFFF;
	s2 =	simm.s32 @!p0 $0x1C02  }
0x76: {  	[timem:s3], [sflag:s2] =	dma.local @!p0 [hbm:s0], s1  }
0x77: {  	s0 =	simm.s32 @!p0 $0x2  }
0x78: {  	_ =	swait.ge @!p0 [sflag:s0], s1  }
0x79: {  	s1 =	ssub.s32 @!p0 $0x0, s1;
	[sflag:s0] =	ssyncset.done @!p0 $0x0  }
0x7a: {  	[sflag:s0] =	ssyncadd.s32 @!p0 s1  }
0x7b: {  	[bflag:$0x3] =	sbarrier.arrive $0xFFFF  }
0x7c: {  	_ =	shalt  }

</sc_bundles>
